<compile_context>
chip_gen: v7x
topology: tpu7x:2x2x1
jax: 0.10.2.dev20260603
libtpu: 0.0.44.dev20260713+nightly
codegen_flags: <defaults>
</compile_context>

<pallas_src>
import jax
import jax.numpy as jnp
from jax import lax
from jax.experimental import pallas as pl
from jax.experimental.pallas import tpu as pltpu
from jax.experimental.pallas import tpu_sc as plsc

_B, _H, _S, _D = 8, 16, 4096, 128
_Q = 16
_BH = _B * _H
_NC, _NS = 2, 16
_NW = _NC * _NS
_BH_PER_W = _BH // _NW


def _sc_body(pos_hbm, src_hbm, kval_hbm, vval_hbm, kc_hbm, vc_hbm,
             kout_hbm, vout_hbm, idx_v, rows_v, sem_c, sem_s):
    wid = lax.axis_index("s") * _NC + lax.axis_index("c")

    pltpu.sync_copy(pos_hbm, idx_v.at[0])
    pltpu.sync_copy(src_hbm, idx_v.at[1])
    pos_v = idx_v[0]
    src_v = idx_v[1]

    copies = []
    for i in range(_BH_PER_W):
        r0 = (wid * _BH_PER_W + i) * _S
        for c_hbm, o_hbm in ((kc_hbm, kout_hbm), (vc_hbm, vout_hbm)):
            copies.append(
                pltpu.async_copy(c_hbm.at[pl.ds(r0, _S)],
                                 o_hbm.at[pl.ds(r0, _S)], sem_c))
    for c in copies:
        c.wait()

    for i in range(_BH_PER_W):
        bh = wid * _BH_PER_W + i
        gsrc = src_v + bh * _Q
        gdst = pos_v + bh * _S
        for val_hbm, o_hbm in ((kval_hbm, kout_hbm), (vval_hbm, vout_hbm)):
            pltpu.async_copy(val_hbm.at[gsrc], rows_v, sem_s).wait()
            pltpu.async_copy(rows_v, o_hbm.at[gdst], sem_s).wait()


def kernel(input_pos, k_val, v_val, k_cache, v_cache):
    pos = input_pos.astype(jnp.int32)
    src = (jnp.searchsorted(pos, pos, side="right") - 1).astype(jnp.int32)
    kv = k_val.reshape(_BH * _Q, _D)
    vv = v_val.reshape(_BH * _Q, _D)
    kc = k_cache.reshape(_BH * _S, _D)
    vc = v_cache.reshape(_BH * _S, _D)
    mesh = plsc.VectorSubcoreMesh(core_axis_name="c", subcore_axis_name="s",
                                  num_cores=_NC, num_subcores=_NS)
    kfn = pl.kernel(
        _sc_body,
        out_type=(jax.ShapeDtypeStruct((_BH * _S, _D), jnp.float32),
                  jax.ShapeDtypeStruct((_BH * _S, _D), jnp.float32)),
        mesh=mesh,
        scratch_types=[
            pltpu.VMEM((2, _Q), jnp.int32),
            pltpu.VMEM((_Q, _D), jnp.float32),
            pltpu.SemaphoreType.DMA,
            pltpu.SemaphoreType.DMA,
        ],
    )
    k_out, v_out = kfn(pos, src, kv, vv, kc, vc)
    return (k_out.reshape(_B, _H, _S, _D), v_out.reshape(_B, _H, _S, _D))

# --- scband reference (transcript-rebuilt; emitter-appended) ---
"""Pipeline reference for scband-kvcache-12043088298099 (READ-ONLY COPY).

The authoritative reference and input builder live on the scoring server;
editing this copy changes nothing except your own understanding.
"""

import jax, jax.numpy as jnp
import numpy as np

B, H, S, D = 8, 16, 4096, 128
Q = 16

def setup_inputs(seed: int = 0) -> dict:
    key = jax.random.key(seed)
    k1, k2, k3 = jax.random.split(key, 3)
    input_pos = jnp.sort(jax.random.randint(k1, (Q,), 0, S))
    k_val = jax.random.normal(k2, (B, H, Q, D), dtype=jnp.float32)
    v_val = jax.random.normal(k3, (B, H, Q, D), dtype=jnp.float32)
    k_cache = jnp.zeros((B, H, S, D), dtype=jnp.float32)
    v_cache = jnp.zeros((B, H, S, D), dtype=jnp.float32)
    return {"input_pos": input_pos, "k_val": k_val, "v_val": v_val,
            "k_cache": k_cache, "v_cache": v_cache}

def reference(input_pos, k_val, v_val, k_cache, v_cache):
    # KVCache.update, non-rolling branch (input_pos has Q > 1 elements):
    # k_cache[:, :, input_pos] = k_val ; v_cache[:, :, input_pos] = v_val
    k_out = k_cache.at[:, :, input_pos, :].set(k_val)
    v_out = v_cache.at[:, :, input_pos, :].set(v_val)
    return (k_out, v_out)

if __name__ == "__main__":
    import jax
    _d = setup_inputs()
    print(jax.jit(kernel)(*tuple(_d.values())))

</pallas_src>

<mosaic_0001>
#map = affine_map<(d0, d1) -> (0)>
#map1 = affine_map<(d0, d1) -> (0, 0)>
module attributes {stable_mosaic.version = 14 : i64} {
  func.func @_sc_body(%arg0: i32, %arg1: i32, %arg2: memref<16xi32, #tpu.memory_space<hbm>>, %arg3: memref<16xi32, #tpu.memory_space<hbm>>, %arg4: memref<2048x128xf32, #tpu.memory_space<hbm>>, %arg5: memref<2048x128xf32, #tpu.memory_space<hbm>>, %arg6: memref<524288x128xf32, #tpu.memory_space<hbm>>, %arg7: memref<524288x128xf32, #tpu.memory_space<hbm>>, %arg8: memref<524288x128xf32, #tpu.memory_space<hbm>>, %arg9: memref<524288x128xf32, #tpu.memory_space<hbm>>, %arg10: memref<2x16xi32, #tpu.memory_space<vmem>>, %arg11: memref<16x128xf32, #tpu.memory_space<vmem>>, %arg12: memref<!tpu.dma_semaphore, #tpu.memory_space<semaphore_mem>>, %arg13: memref<!tpu.dma_semaphore, #tpu.memory_space<semaphore_mem>>) attributes {dimension_semantics = [#tpu.dimension_semantics<core_parallel>, #tpu.dimension_semantics<subcore_parallel>], iteration_bounds = array<i64: 2, 16>, scalar_prefetch = 0 : i64, scratch_operands = 4 : i64, tpu.core_type = #tpu.core_type<sc_vector_subcore>, window_params = [{transform_indices = #map}, {transform_indices = #map}, {transform_indices = #map1}, {transform_indices = #map1}, {transform_indices = #map1}, {transform_indices = #map1}, {transform_indices = #map1}, {transform_indices = #map1}]} {
    %mul3A = arith.constant 2 : i32
    %mul3A_0 = arith.muli %arg1, %mul3A : i32
    %add3A = arith.addi %mul3A_0, %arg0 : i32
    %run_scoped3A = arith.constant 0 : i32
    "tpu.region"() ({
      %run_scoped3A_241 = tpu.sem_alloc : memref<!tpu.dma_semaphore, #tpu.memory_space<semaphore_mem>>
      %dma_start3A_242 = arith.constant 0 : i32
      %dma_start3A_243 = tpu.memref_slice %arg10[%run_scoped3A, %dma_start3A_242] : memref<2x16xi32, #tpu.memory_space<vmem>> -> memref<1x16xi32, #tpu.memory_space<vmem>>
      %dma_start3A_244 = tpu.memref_squeeze %dma_start3A_243 : memref<1x16xi32, #tpu.memory_space<vmem>> -> memref<16xi32, #tpu.memory_space<vmem>>
      %dma_start3A_245 = arith.constant 0 : i32
      %dma_start3A_246 = tpu.memref_slice %arg10[%run_scoped3A, %dma_start3A_245] : memref<2x16xi32, #tpu.memory_space<vmem>> -> memref<1x16xi32, #tpu.memory_space<vmem>>
      %dma_start3A_247 = tpu.memref_squeeze %dma_start3A_246 : memref<1x16xi32, #tpu.memory_space<vmem>> -> memref<16xi32, #tpu.memory_space<vmem>>
      tpu.enqueue_dma source(%arg2 : memref<16xi32, #tpu.memory_space<hbm>>) target(%dma_start3A_247 : memref<16xi32, #tpu.memory_space<vmem>>) target_semaphore(%run_scoped3A_241 : memref<!tpu.dma_semaphore, #tpu.memory_space<semaphore_mem>>)
      %dma_wait3A_248 = arith.constant 0 : i32
      %dma_wait3A_249 = tpu.memref_slice %arg10[%run_scoped3A, %dma_wait3A_248] : memref<2x16xi32, #tpu.memory_space<vmem>> -> memref<1x16xi32, #tpu.memory_space<vmem>>
      %dma_wait3A_250 = tpu.memref_squeeze %dma_wait3A_249 : memref<1x16xi32, #tpu.memory_space<vmem>> -> memref<16xi32, #tpu.memory_space<vmem>>
      %dma_wait3A_251 = arith.constant 0 : i32
      %dma_wait3A_252 = tpu.memref_slice %arg10[%run_scoped3A, %dma_wait3A_251] : memref<2x16xi32, #tpu.memory_space<vmem>> -> memref<1x16xi32, #tpu.memory_space<vmem>>
      %dma_wait3A_253 = tpu.memref_squeeze %dma_wait3A_252 : memref<1x16xi32, #tpu.memory_space<vmem>> -> memref<16xi32, #tpu.memory_space<vmem>>
      tpu.wait_dma2 semaphore(%run_scoped3A_241 : memref<!tpu.dma_semaphore, #tpu.memory_space<semaphore_mem>>) src(%arg2 : memref<16xi32, #tpu.memory_space<hbm>>) dst(%dma_wait3A_253 : memref<16xi32, #tpu.memory_space<vmem>>)
      tpu.yield
    }) : () -> ()
    %run_scoped3A_1 = arith.constant 1 : i32
    "tpu.region"() ({
      %run_scoped3A_241 = tpu.sem_alloc : memref<!tpu.dma_semaphore, #tpu.memory_space<semaphore_mem>>
      %dma_start3A_242 = arith.constant 0 : i32
      %dma_start3A_243 = tpu.memref_slice %arg10[%run_scoped3A_1, %dma_start3A_242] : memref<2x16xi32, #tpu.memory_space<vmem>> -> memref<1x16xi32, #tpu.memory_space<vmem>>
      %dma_start3A_244 = tpu.memref_squeeze %dma_start3A_243 : memref<1x16xi32, #tpu.memory_space<vmem>> -> memref<16xi32, #tpu.memory_space<vmem>>
      %dma_start3A_245 = arith.constant 0 : i32
      %dma_start3A_246 = tpu.memref_slice %arg10[%run_scoped3A_1, %dma_start3A_245] : memref<2x16xi32, #tpu.memory_space<vmem>> -> memref<1x16xi32, #tpu.memory_space<vmem>>
      %dma_start3A_247 = tpu.memref_squeeze %dma_start3A_246 : memref<1x16xi32, #tpu.memory_space<vmem>> -> memref<16xi32, #tpu.memory_space<vmem>>
      tpu.enqueue_dma source(%arg3 : memref<16xi32, #tpu.memory_space<hbm>>) target(%dma_start3A_247 : memref<16xi32, #tpu.memory_space<vmem>>) target_semaphore(%run_scoped3A_241 : memref<!tpu.dma_semaphore, #tpu.memory_space<semaphore_mem>>)
      %dma_wait3A_248 = arith.constant 0 : i32
      %dma_wait3A_249 = tpu.memref_slice %arg10[%run_scoped3A_1, %dma_wait3A_248] : memref<2x16xi32, #tpu.memory_space<vmem>> -> memref<1x16xi32, #tpu.memory_space<vmem>>
      %dma_wait3A_250 = tpu.memref_squeeze %dma_wait3A_249 : memref<1x16xi32, #tpu.memory_space<vmem>> -> memref<16xi32, #tpu.memory_space<vmem>>
      %dma_wait3A_251 = arith.constant 0 : i32
      %dma_wait3A_252 = tpu.memref_slice %arg10[%run_scoped3A_1, %dma_wait3A_251] : memref<2x16xi32, #tpu.memory_space<vmem>> -> memref<1x16xi32, #tpu.memory_space<vmem>>
      %dma_wait3A_253 = tpu.memref_squeeze %dma_wait3A_252 : memref<1x16xi32, #tpu.memory_space<vmem>> -> memref<16xi32, #tpu.memory_space<vmem>>
      tpu.wait_dma2 semaphore(%run_scoped3A_241 : memref<!tpu.dma_semaphore, #tpu.memory_space<semaphore_mem>>) src(%arg3 : memref<16xi32, #tpu.memory_space<hbm>>) dst(%dma_wait3A_253 : memref<16xi32, #tpu.memory_space<vmem>>)
      tpu.yield
    }) : () -> ()
    %get3A = arith.constant 0 : i32
    %get3A_2 = arith.index_cast %get3A : i32 to index
    %get3A_3 = arith.constant 0 : index
    %get3A_4 = tpu.vector_load %arg10[%get3A_2, %get3A_3] {strides = array<i32>} : memref<2x16xi32, #tpu.memory_space<vmem>>, vector<1x16xi32>,
    %get3A_5 = vector.shape_cast %get3A_4 : vector<1x16xi32> to vector<16xi32>
    %get3A_6 = arith.constant 1 : i32
    %get3A_7 = arith.index_cast %get3A_6 : i32 to index
    %get3A_8 = arith.constant 0 : index
    %get3A_9 = tpu.vector_load %arg10[%get3A_7, %get3A_8] {strides = array<i32>} : memref<2x16xi32, #tpu.memory_space<vmem>>, vector<1x16xi32>,
    %get3A_10 = vector.shape_cast %get3A_9 : vector<1x16xi32> to vector<16xi32>
    %mul3A_11 = arith.constant 4 : i32
    %mul3A_12 = arith.muli %add3A, %mul3A_11 : i32
    %add3A_13 = arith.constant 0 : i32
    %add3A_14 = arith.addi %mul3A_12, %add3A_13 : i32
    %mul3A_15 = arith.constant 4096 : i32
    %mul3A_16 = arith.muli %add3A_14, %mul3A_15 : i32
    %dma_start3A = arith.constant 0 : i32
    %dma_start3A_17 = tpu.memref_slice %arg8[%mul3A_16, %dma_start3A] : memref<524288x128xf32, #tpu.memory_space<hbm>> -> memref<4096x128xf32, #tpu.memory_space<hbm>>
    %dma_start3A_18 = arith.constant 0 : i32
    %dma_start3A_19 = tpu.memref_slice %arg6[%mul3A_16, %dma_start3A_18] : memref<524288x128xf32, #tpu.memory_space<hbm>> -> memref<4096x128xf32, #tpu.memory_space<hbm>>
    tpu.enqueue_dma source(%dma_start3A_19 : memref<4096x128xf32, #tpu.memory_space<hbm>>) target(%dma_start3A_17 : memref<4096x128xf32, #tpu.memory_space<hbm>>) target_semaphore(%arg12 : memref<!tpu.dma_semaphore, #tpu.memory_space<semaphore_mem>>)
    %dma_start3A_20 = arith.constant 0 : i32
    %dma_start3A_21 = tpu.memref_slice %arg9[%mul3A_16, %dma_start3A_20] : memref<524288x128xf32, #tpu.memory_space<hbm>> -> memref<4096x128xf32, #tpu.memory_space<hbm>>
    %dma_start3A_22 = arith.constant 0 : i32
    %dma_start3A_23 = tpu.memref_slice %arg7[%mul3A_16, %dma_start3A_22] : memref<524288x128xf32, #tpu.memory_space<hbm>> -> memref<4096x128xf32, #tpu.memory_space<hbm>>
    tpu.enqueue_dma source(%dma_start3A_23 : memref<4096x128xf32, #tpu.memory_space<hbm>>) target(%dma_start3A_21 : memref<4096x128xf32, #tpu.memory_space<hbm>>) target_semaphore(%arg12 : memref<!tpu.dma_semaphore, #tpu.memory_space<semaphore_mem>>)
    %mul3A_24 = arith.constant 4 : i32
    %mul3A_25 = arith.muli %add3A, %mul3A_24 : i32
    %add3A_26 = arith.constant 1 : i32
    %add3A_27 = arith.addi %mul3A_25, %add3A_26 : i32
    %mul3A_28 = arith.constant 4096 : i32
    %mul3A_29 = arith.muli %add3A_27, %mul3A_28 : i32
    %dma_start3A_30 = arith.constant 0 : i32
    %dma_start3A_31 = tpu.memref_slice %arg8[%mul3A_29, %dma_start3A_30] : memref<524288x128xf32, #tpu.memory_space<hbm>> -> memref<4096x128xf32, #tpu.memory_space<hbm>>
    %dma_start3A_32 = arith.constant 0 : i32
    %dma_start3A_33 = tpu.memref_slice %arg6[%mul3A_29, %dma_start3A_32] : memref<524288x128xf32, #tpu.memory_space<hbm>> -> memref<4096x128xf32, #tpu.memory_space<hbm>>
    tpu.enqueue_dma source(%dma_start3A_33 : memref<4096x128xf32, #tpu.memory_space<hbm>>) target(%dma_start3A_31 : memref<4096x128xf32, #tpu.memory_space<hbm>>) target_semaphore(%arg12 : memref<!tpu.dma_semaphore, #tpu.memory_space<semaphore_mem>>)
    %dma_start3A_34 = arith.constant 0 : i32
    %dma_start3A_35 = tpu.memref_slice %arg9[%mul3A_29, %dma_start3A_34] : memref<524288x128xf32, #tpu.memory_space<hbm>> -> memref<4096x128xf32, #tpu.memory_space<hbm>>
    %dma_start3A_36 = arith.constant 0 : i32
    %dma_start3A_37 = tpu.memref_slice %arg7[%mul3A_29, %dma_start3A_36] : memref<524288x128xf32, #tpu.memory_space<hbm>> -> memref<4096x128xf32, #tpu.memory_space<hbm>>
    tpu.enqueue_dma source(%dma_start3A_37 : memref<4096x128xf32, #tpu.memory_space<hbm>>) target(%dma_start3A_35 : memref<4096x128xf32, #tpu.memory_space<hbm>>) target_semaphore(%arg12 : memref<!tpu.dma_semaphore, #tpu.memory_space<semaphore_mem>>)
    %mul3A_38 = arith.constant 4 : i32
    %mul3A_39 = arith.muli %add3A, %mul3A_38 : i32
    %add3A_40 = arith.constant 2 : i32
    %add3A_41 = arith.addi %mul3A_39, %add3A_40 : i32
    %mul3A_42 = arith.constant 4096 : i32
    %mul3A_43 = arith.muli %add3A_41, %mul3A_42 : i32
    %dma_start3A_44 = arith.constant 0 : i32
    %dma_start3A_45 = tpu.memref_slice %arg8[%mul3A_43, %dma_start3A_44] : memref<524288x128xf32, #tpu.memory_space<hbm>> -> memref<4096x128xf32, #tpu.memory_space<hbm>>
    %dma_start3A_46 = arith.constant 0 : i32
    %dma_start3A_47 = tpu.memref_slice %arg6[%mul3A_43, %dma_start3A_46] : memref<524288x128xf32, #tpu.memory_space<hbm>> -> memref<4096x128xf32, #tpu.memory_space<hbm>>
    tpu.enqueue_dma source(%dma_start3A_47 : memref<4096x128xf32, #tpu.memory_space<hbm>>) target(%dma_start3A_45 : memref<4096x128xf32, #tpu.memory_space<hbm>>) target_semaphore(%arg12 : memref<!tpu.dma_semaphore, #tpu.memory_space<semaphore_mem>>)
    %dma_start3A_48 = arith.constant 0 : i32
    %dma_start3A_49 = tpu.memref_slice %arg9[%mul3A_43, %dma_start3A_48] : memref<524288x128xf32, #tpu.memory_space<hbm>> -> memref<4096x128xf32, #tpu.memory_space<hbm>>
    %dma_start3A_50 = arith.constant 0 : i32
    %dma_start3A_51 = tpu.memref_slice %arg7[%mul3A_43, %dma_start3A_50] : memref<524288x128xf32, #tpu.memory_space<hbm>> -> memref<4096x128xf32, #tpu.memory_space<hbm>>
    tpu.enqueue_dma source(%dma_start3A_51 : memref<4096x128xf32, #tpu.memory_space<hbm>>) target(%dma_start3A_49 : memref<4096x128xf32, #tpu.memory_space<hbm>>) target_semaphore(%arg12 : memref<!tpu.dma_semaphore, #tpu.memory_space<semaphore_mem>>)
    %mul3A_52 = arith.constant 4 : i32
    %mul3A_53 = arith.muli %add3A, %mul3A_52 : i32
    %add3A_54 = arith.constant 3 : i32
    %add3A_55 = arith.addi %mul3A_53, %add3A_54 : i32
    %mul3A_56 = arith.constant 4096 : i32
    %mul3A_57 = arith.muli %add3A_55, %mul3A_56 : i32
    %dma_start3A_58 = arith.constant 0 : i32
    %dma_start3A_59 = tpu.memref_slice %arg8[%mul3A_57, %dma_start3A_58] : memref<524288x128xf32, #tpu.memory_space<hbm>> -> memref<4096x128xf32, #tpu.memory_space<hbm>>
    %dma_start3A_60 = arith.constant 0 : i32
    %dma_start3A_61 = tpu.memref_slice %arg6[%mul3A_57, %dma_start3A_60] : memref<524288x128xf32, #tpu.memory_space<hbm>> -> memref<4096x128xf32, #tpu.memory_space<hbm>>
    tpu.enqueue_dma source(%dma_start3A_61 : memref<4096x128xf32, #tpu.memory_space<hbm>>) target(%dma_start3A_59 : memref<4096x128xf32, #tpu.memory_space<hbm>>) target_semaphore(%arg12 : memref<!tpu.dma_semaphore, #tpu.memory_space<semaphore_mem>>)
    %dma_start3A_62 = arith.constant 0 : i32
    %dma_start3A_63 = tpu.memref_slice %arg9[%mul3A_57, %dma_start3A_62] : memref<524288x128xf32, #tpu.memory_space<hbm>> -> memref<4096x128xf32, #tpu.memory_space<hbm>>
    %dma_start3A_64 = arith.constant 0 : i32
    %dma_start3A_65 = tpu.memref_slice %arg7[%mul3A_57, %dma_start3A_64] : memref<524288x128xf32, #tpu.memory_space<hbm>> -> memref<4096x128xf32, #tpu.memory_space<hbm>>
    tpu.enqueue_dma source(%dma_start3A_65 : memref<4096x128xf32, #tpu.memory_space<hbm>>) target(%dma_start3A_63 : memref<4096x128xf32, #tpu.memory_space<hbm>>) target_semaphore(%arg12 : memref<!tpu.dma_semaphore, #tpu.memory_space<semaphore_mem>>)
    %dma_wait3A = arith.constant 0 : i32
    %dma_wait3A_66 = tpu.memref_slice %arg8[%mul3A_16, %dma_wait3A] : memref<524288x128xf32, #tpu.memory_space<hbm>> -> memref<4096x128xf32, #tpu.memory_space<hbm>>
    %dma_wait3A_67 = arith.constant 0 : i32
    %dma_wait3A_68 = tpu.memref_slice %arg6[%mul3A_16, %dma_wait3A_67] : memref<524288x128xf32, #tpu.memory_space<hbm>> -> memref<4096x128xf32, #tpu.memory_space<hbm>>
    tpu.wait_dma2 semaphore(%arg12 : memref<!tpu.dma_semaphore, #tpu.memory_space<semaphore_mem>>) src(%dma_wait3A_68 : memref<4096x128xf32, #tpu.memory_space<hbm>>) dst(%dma_wait3A_66 : memref<4096x128xf32, #tpu.memory_space<hbm>>)
    %dma_wait3A_69 = arith.constant 0 : i32
    %dma_wait3A_70 = tpu.memref_slice %arg9[%mul3A_16, %dma_wait3A_69] : memref<524288x128xf32, #tpu.memory_space<hbm>> -> memref<4096x128xf32, #tpu.memory_space<hbm>>
    %dma_wait3A_71 = arith.constant 0 : i32
    %dma_wait3A_72 = tpu.memref_slice %arg7[%mul3A_16, %dma_wait3A_71] : memref<524288x128xf32, #tpu.memory_space<hbm>> -> memref<4096x128xf32, #tpu.memory_space<hbm>>
    tpu.wait_dma2 semaphore(%arg12 : memref<!tpu.dma_semaphore, #tpu.memory_space<semaphore_mem>>) src(%dma_wait3A_72 : memref<4096x128xf32, #tpu.memory_space<hbm>>) dst(%dma_wait3A_70 : memref<4096x128xf32, #tpu.memory_space<hbm>>)
    %dma_wait3A_73 = arith.constant 0 : i32
    %dma_wait3A_74 = tpu.memref_slice %arg8[%mul3A_29, %dma_wait3A_73] : memref<524288x128xf32, #tpu.memory_space<hbm>> -> memref<4096x128xf32, #tpu.memory_space<hbm>>
    %dma_wait3A_75 = arith.constant 0 : i32
    %dma_wait3A_76 = tpu.memref_slice %arg6[%mul3A_29, %dma_wait3A_75] : memref<524288x128xf32, #tpu.memory_space<hbm>> -> memref<4096x128xf32, #tpu.memory_space<hbm>>
    tpu.wait_dma2 semaphore(%arg12 : memref<!tpu.dma_semaphore, #tpu.memory_space<semaphore_mem>>) src(%dma_wait3A_76 : memref<4096x128xf32, #tpu.memory_space<hbm>>) dst(%dma_wait3A_74 : memref<4096x128xf32, #tpu.memory_space<hbm>>)
    %dma_wait3A_77 = arith.constant 0 : i32
    %dma_wait3A_78 = tpu.memref_slice %arg9[%mul3A_29, %dma_wait3A_77] : memref<524288x128xf32, #tpu.memory_space<hbm>> -> memref<4096x128xf32, #tpu.memory_space<hbm>>
    %dma_wait3A_79 = arith.constant 0 : i32
    %dma_wait3A_80 = tpu.memref_slice %arg7[%mul3A_29, %dma_wait3A_79] : memref<524288x128xf32, #tpu.memory_space<hbm>> -> memref<4096x128xf32, #tpu.memory_space<hbm>>
    tpu.wait_dma2 semaphore(%arg12 : memref<!tpu.dma_semaphore, #tpu.memory_space<semaphore_mem>>) src(%dma_wait3A_80 : memref<4096x128xf32, #tpu.memory_space<hbm>>) dst(%dma_wait3A_78 : memref<4096x128xf32, #tpu.memory_space<hbm>>)
    %dma_wait3A_81 = arith.constant 0 : i32
    %dma_wait3A_82 = tpu.memref_slice %arg8[%mul3A_43, %dma_wait3A_81] : memref<524288x128xf32, #tpu.memory_space<hbm>> -> memref<4096x128xf32, #tpu.memory_space<hbm>>
    %dma_wait3A_83 = arith.constant 0 : i32
    %dma_wait3A_84 = tpu.memref_slice %arg6[%mul3A_43, %dma_wait3A_83] : memref<524288x128xf32, #tpu.memory_space<hbm>> -> memref<4096x128xf32, #tpu.memory_space<hbm>>
    tpu.wait_dma2 semaphore(%arg12 : memref<!tpu.dma_semaphore, #tpu.memory_space<semaphore_mem>>) src(%dma_wait3A_84 : memref<4096x128xf32, #tpu.memory_space<hbm>>) dst(%dma_wait3A_82 : memref<4096x128xf32, #tpu.memory_space<hbm>>)
    %dma_wait3A_85 = arith.constant 0 : i32
    %dma_wait3A_86 = tpu.memref_slice %arg9[%mul3A_43, %dma_wait3A_85] : memref<524288x128xf32, #tpu.memory_space<hbm>> -> memref<4096x128xf32, #tpu.memory_space<hbm>>
    %dma_wait3A_87 = arith.constant 0 : i32
    %dma_wait3A_88 = tpu.memref_slice %arg7[%mul3A_43, %dma_wait3A_87] : memref<524288x128xf32, #tpu.memory_space<hbm>> -> memref<4096x128xf32, #tpu.memory_space<hbm>>
    tpu.wait_dma2 semaphore(%arg12 : memref<!tpu.dma_semaphore, #tpu.memory_space<semaphore_mem>>) src(%dma_wait3A_88 : memref<4096x128xf32, #tpu.memory_space<hbm>>) dst(%dma_wait3A_86 : memref<4096x128xf32, #tpu.memory_space<hbm>>)
    %dma_wait3A_89 = arith.constant 0 : i32
    %dma_wait3A_90 = tpu.memref_slice %arg8[%mul3A_57, %dma_wait3A_89] : memref<524288x128xf32, #tpu.memory_space<hbm>> -> memref<4096x128xf32, #tpu.memory_space<hbm>>
    %dma_wait3A_91 = arith.constant 0 : i32
    %dma_wait3A_92 = tpu.memref_slice %arg6[%mul3A_57, %dma_wait3A_91] : memref<524288x128xf32, #tpu.memory_space<hbm>> -> memref<4096x128xf32, #tpu.memory_space<hbm>>
    tpu.wait_dma2 semaphore(%arg12 : memref<!tpu.dma_semaphore, #tpu.memory_space<semaphore_mem>>) src(%dma_wait3A_92 : memref<4096x128xf32, #tpu.memory_space<hbm>>) dst(%dma_wait3A_90 : memref<4096x128xf32, #tpu.memory_space<hbm>>)
    %dma_wait3A_93 = arith.constant 0 : i32
    %dma_wait3A_94 = tpu.memref_slice %arg9[%mul3A_57, %dma_wait3A_93] : memref<524288x128xf32, #tpu.memory_space<hbm>> -> memref<4096x128xf32, #tpu.memory_space<hbm>>
    %dma_wait3A_95 = arith.constant 0 : i32
    %dma_wait3A_96 = tpu.memref_slice %arg7[%mul3A_57, %dma_wait3A_95] : memref<524288x128xf32, #tpu.memory_space<hbm>> -> memref<4096x128xf32, #tpu.memory_space<hbm>>
    tpu.wait_dma2 semaphore(%arg12 : memref<!tpu.dma_semaphore, #tpu.memory_space<semaphore_mem>>) src(%dma_wait3A_96 : memref<4096x128xf32, #tpu.memory_space<hbm>>) dst(%dma_wait3A_94 : memref<4096x128xf32, #tpu.memory_space<hbm>>)
    %mul3A_97 = arith.constant 4 : i32
    %mul3A_98 = arith.muli %add3A, %mul3A_97 : i32
    %add3A_99 = arith.constant 0 : i32
    %add3A_100 = arith.addi %mul3A_98, %add3A_99 : i32
    %mul3A_101 = arith.constant 16 : i32
    %mul3A_102 = arith.muli %add3A_100, %mul3A_101 : i32
    %add3A_103 = vector.broadcast %mul3A_102 : i32 to vector<16xi32>
    %add3A_104 = arith.addi %get3A_10, %add3A_103 : vector<16xi32>
    %mul3A_105 = arith.constant 4096 : i32
    %mul3A_106 = arith.muli %add3A_100, %mul3A_105 : i32
    %add3A_107 = vector.broadcast %mul3A_106 : i32 to vector<16xi32>
    %add3A_108 = arith.addi %get3A_5, %add3A_107 : vector<16xi32>
    %dma_start3A_109 = arith.constant 0 : i32
    %dma_start3A_110 = arith.constant 0 : i32
    %dma_start3A_111 = tpu.memref_slice %arg4[%dma_start3A_109, %dma_start3A_110] : memref<2048x128xf32, #tpu.memory_space<hbm>> -> memref<2048x128xf32, #tpu.memory_space<hbm>>
    tpu.enqueue_indirect_dma source(%dma_start3A_111 : memref<2048x128xf32, #tpu.memory_space<hbm>>) target(%arg11 : memref<16x128xf32, #tpu.memory_space<vmem>>) offsets(%add3A_104 : vector<16xi32>) semaphore(%arg13 : memref<!tpu.dma_semaphore, #tpu.memory_space<semaphore_mem>>)
    %dma_wait3A_112 = arith.constant 0 : i32
    %dma_wait3A_113 = arith.constant 0 : i32
    %dma_wait3A_114 = tpu.memref_slice %arg4[%dma_wait3A_112, %dma_wait3A_113] : memref<2048x128xf32, #tpu.memory_space<hbm>> -> memref<2048x128xf32, #tpu.memory_space<hbm>>
    tpu.wait_indirect_dma semaphore(%arg13 : memref<!tpu.dma_semaphore, #tpu.memory_space<semaphore_mem>>) src(%dma_wait3A_114 : memref<2048x128xf32, #tpu.memory_space<hbm>>) dst(%arg11 : memref<16x128xf32, #tpu.memory_space<vmem>>)
    %dma_start3A_115 = arith.constant 0 : i32
    %dma_start3A_116 = arith.constant 0 : i32
    %dma_start3A_117 = tpu.memref_slice %arg8[%dma_start3A_115, %dma_start3A_116] : memref<524288x128xf32, #tpu.memory_space<hbm>> -> memref<524288x128xf32, #tpu.memory_space<hbm>>
    tpu.enqueue_indirect_dma source(%arg11 : memref<16x128xf32, #tpu.memory_space<vmem>>) target(%dma_start3A_117 : memref<524288x128xf32, #tpu.memory_space<hbm>>) offsets(%add3A_108 : vector<16xi32>) semaphore(%arg13 : memref<!tpu.dma_semaphore, #tpu.memory_space<semaphore_mem>>)
    %dma_wait3A_118 = arith.constant 0 : i32
    %dma_wait3A_119 = arith.constant 0 : i32
    %dma_wait3A_120 = tpu.memref_slice %arg8[%dma_wait3A_118, %dma_wait3A_119] : memref<524288x128xf32, #tpu.memory_space<hbm>> -> memref<524288x128xf32, #tpu.memory_space<hbm>>
    tpu.wait_indirect_dma semaphore(%arg13 : memref<!tpu.dma_semaphore, #tpu.memory_space<semaphore_mem>>) src(%arg11 : memref<16x128xf32, #tpu.memory_space<vmem>>) dst(%dma_wait3A_120 : memref<524288x128xf32, #tpu.memory_space<hbm>>)
    %dma_start3A_121 = arith.constant 0 : i32
    %dma_start3A_122 = arith.constant 0 : i32
    %dma_start3A_123 = tpu.memref_slice %arg5[%dma_start3A_121, %dma_start3A_122] : memref<2048x128xf32, #tpu.memory_space<hbm>> -> memref<2048x128xf32, #tpu.memory_space<hbm>>
    tpu.enqueue_indirect_dma source(%dma_start3A_123 : memref<2048x128xf32, #tpu.memory_space<hbm>>) target(%arg11 : memref<16x128xf32, #tpu.memory_space<vmem>>) offsets(%add3A_104 : vector<16xi32>) semaphore(%arg13 : memref<!tpu.dma_semaphore, #tpu.memory_space<semaphore_mem>>)
    %dma_wait3A_124 = arith.constant 0 : i32
    %dma_wait3A_125 = arith.constant 0 : i32
    %dma_wait3A_126 = tpu.memref_slice %arg5[%dma_wait3A_124, %dma_wait3A_125] : memref<2048x128xf32, #tpu.memory_space<hbm>> -> memref<2048x128xf32, #tpu.memory_space<hbm>>
    tpu.wait_indirect_dma semaphore(%arg13 : memref<!tpu.dma_semaphore, #tpu.memory_space<semaphore_mem>>) src(%dma_wait3A_126 : memref<2048x128xf32, #tpu.memory_space<hbm>>) dst(%arg11 : memref<16x128xf32, #tpu.memory_space<vmem>>)
    %dma_start3A_127 = arith.constant 0 : i32
    %dma_start3A_128 = arith.constant 0 : i32
    %dma_start3A_129 = tpu.memref_slice %arg9[%dma_start3A_127, %dma_start3A_128] : memref<524288x128xf32, #tpu.memory_space<hbm>> -> memref<524288x128xf32, #tpu.memory_space<hbm>>
    tpu.enqueue_indirect_dma source(%arg11 : memref<16x128xf32, #tpu.memory_space<vmem>>) target(%dma_start3A_129 : memref<524288x128xf32, #tpu.memory_space<hbm>>) offsets(%add3A_108 : vector<16xi32>) semaphore(%arg13 : memref<!tpu.dma_semaphore, #tpu.memory_space<semaphore_mem>>)
    %dma_wait3A_130 = arith.constant 0 : i32
    %dma_wait3A_131 = arith.constant 0 : i32
    %dma_wait3A_132 = tpu.memref_slice %arg9[%dma_wait3A_130, %dma_wait3A_131] : memref<524288x128xf32, #tpu.memory_space<hbm>> -> memref<524288x128xf32, #tpu.memory_space<hbm>>
    tpu.wait_indirect_dma semaphore(%arg13 : memref<!tpu.dma_semaphore, #tpu.memory_space<semaphore_mem>>) src(%arg11 : memref<16x128xf32, #tpu.memory_space<vmem>>) dst(%dma_wait3A_132 : memref<524288x128xf32, #tpu.memory_space<hbm>>)
    %mul3A_133 = arith.constant 4 : i32
    %mul3A_134 = arith.muli %add3A, %mul3A_133 : i32
    %add3A_135 = arith.constant 1 : i32
    %add3A_136 = arith.addi %mul3A_134, %add3A_135 : i32
    %mul3A_137 = arith.constant 16 : i32
    %mul3A_138 = arith.muli %add3A_136, %mul3A_137 : i32
    %add3A_139 = vector.broadcast %mul3A_138 : i32 to vector<16xi32>
    %add3A_140 = arith.addi %get3A_10, %add3A_139 : vector<16xi32>
    %mul3A_141 = arith.constant 4096 : i32
    %mul3A_142 = arith.muli %add3A_136, %mul3A_141 : i32
    %add3A_143 = vector.broadcast %mul3A_142 : i32 to vector<16xi32>
    %add3A_144 = arith.addi %get3A_5, %add3A_143 : vector<16xi32>
    %dma_start3A_145 = arith.constant 0 : i32
    %dma_start3A_146 = arith.constant 0 : i32
    %dma_start3A_147 = tpu.memref_slice %arg4[%dma_start3A_145, %dma_start3A_146] : memref<2048x128xf32, #tpu.memory_space<hbm>> -> memref<2048x128xf32, #tpu.memory_space<hbm>>
    tpu.enqueue_indirect_dma source(%dma_start3A_147 : memref<2048x128xf32, #tpu.memory_space<hbm>>) target(%arg11 : memref<16x128xf32, #tpu.memory_space<vmem>>) offsets(%add3A_140 : vector<16xi32>) semaphore(%arg13 : memref<!tpu.dma_semaphore, #tpu.memory_space<semaphore_mem>>)
    %dma_wait3A_148 = arith.constant 0 : i32
    %dma_wait3A_149 = arith.constant 0 : i32
    %dma_wait3A_150 = tpu.memref_slice %arg4[%dma_wait3A_148, %dma_wait3A_149] : memref<2048x128xf32, #tpu.memory_space<hbm>> -> memref<2048x128xf32, #tpu.memory_space<hbm>>
    tpu.wait_indirect_dma semaphore(%arg13 : memref<!tpu.dma_semaphore, #tpu.memory_space<semaphore_mem>>) src(%dma_wait3A_150 : memref<2048x128xf32, #tpu.memory_space<hbm>>) dst(%arg11 : memref<16x128xf32, #tpu.memory_space<vmem>>)
    %dma_start3A_151 = arith.constant 0 : i32
    %dma_start3A_152 = arith.constant 0 : i32
    %dma_start3A_153 = tpu.memref_slice %arg8[%dma_start3A_151, %dma_start3A_152] : memref<524288x128xf32, #tpu.memory_space<hbm>> -> memref<524288x128xf32, #tpu.memory_space<hbm>>
    tpu.enqueue_indirect_dma source(%arg11 : memref<16x128xf32, #tpu.memory_space<vmem>>) target(%dma_start3A_153 : memref<524288x128xf32, #tpu.memory_space<hbm>>) offsets(%add3A_144 : vector<16xi32>) semaphore(%arg13 : memref<!tpu.dma_semaphore, #tpu.memory_space<semaphore_mem>>)
    %dma_wait3A_154 = arith.constant 0 : i32
    %dma_wait3A_155 = arith.constant 0 : i32
    %dma_wait3A_156 = tpu.memref_slice %arg8[%dma_wait3A_154, %dma_wait3A_155] : memref<524288x128xf32, #tpu.memory_space<hbm>> -> memref<524288x128xf32, #tpu.memory_space<hbm>>
    tpu.wait_indirect_dma semaphore(%arg13 : memref<!tpu.dma_semaphore, #tpu.memory_space<semaphore_mem>>) src(%arg11 : memref<16x128xf32, #tpu.memory_space<vmem>>) dst(%dma_wait3A_156 : memref<524288x128xf32, #tpu.memory_space<hbm>>)
    %dma_start3A_157 = arith.constant 0 : i32
    %dma_start3A_158 = arith.constant 0 : i32
    %dma_start3A_159 = tpu.memref_slice %arg5[%dma_start3A_157, %dma_start3A_158] : memref<2048x128xf32, #tpu.memory_space<hbm>> -> memref<2048x128xf32, #tpu.memory_space<hbm>>
    tpu.enqueue_indirect_dma source(%dma_start3A_159 : memref<2048x128xf32, #tpu.memory_space<hbm>>) target(%arg11 : memref<16x128xf32, #tpu.memory_space<vmem>>) offsets(%add3A_140 : vector<16xi32>) semaphore(%arg13 : memref<!tpu.dma_semaphore, #tpu.memory_space<semaphore_mem>>)
    %dma_wait3A_160 = arith.constant 0 : i32
    %dma_wait3A_161 = arith.constant 0 : i32
    %dma_wait3A_162 = tpu.memref_slice %arg5[%dma_wait3A_160, %dma_wait3A_161] : memref<2048x128xf32, #tpu.memory_space<hbm>> -> memref<2048x128xf32, #tpu.memory_space<hbm>>
    tpu.wait_indirect_dma semaphore(%arg13 : memref<!tpu.dma_semaphore, #tpu.memory_space<semaphore_mem>>) src(%dma_wait3A_162 : memref<2048x128xf32, #tpu.memory_space<hbm>>) dst(%arg11 : memref<16x128xf32, #tpu.memory_space<vmem>>)
    %dma_start3A_163 = arith.constant 0 : i32
    %dma_start3A_164 = arith.constant 0 : i32
    %dma_start3A_165 = tpu.memref_slice %arg9[%dma_start3A_163, %dma_start3A_164] : memref<524288x128xf32, #tpu.memory_space<hbm>> -> memref<524288x128xf32, #tpu.memory_space<hbm>>
    tpu.enqueue_indirect_dma source(%arg11 : memref<16x128xf32, #tpu.memory_space<vmem>>) target(%dma_start3A_165 : memref<524288x128xf32, #tpu.memory_space<hbm>>) offsets(%add3A_144 : vector<16xi32>) semaphore(%arg13 : memref<!tpu.dma_semaphore, #tpu.memory_space<semaphore_mem>>)
    %dma_wait3A_166 = arith.constant 0 : i32
    %dma_wait3A_167 = arith.constant 0 : i32
    %dma_wait3A_168 = tpu.memref_slice %arg9[%dma_wait3A_166, %dma_wait3A_167] : memref<524288x128xf32, #tpu.memory_space<hbm>> -> memref<524288x128xf32, #tpu.memory_space<hbm>>
    tpu.wait_indirect_dma semaphore(%arg13 : memref<!tpu.dma_semaphore, #tpu.memory_space<semaphore_mem>>) src(%arg11 : memref<16x128xf32, #tpu.memory_space<vmem>>) dst(%dma_wait3A_168 : memref<524288x128xf32, #tpu.memory_space<hbm>>)
    %mul3A_169 = arith.constant 4 : i32
    %mul3A_170 = arith.muli %add3A, %mul3A_169 : i32
    %add3A_171 = arith.constant 2 : i32
    %add3A_172 = arith.addi %mul3A_170, %add3A_171 : i32
    %mul3A_173 = arith.constant 16 : i32
    %mul3A_174 = arith.muli %add3A_172, %mul3A_173 : i32
    %add3A_175 = vector.broadcast %mul3A_174 : i32 to vector<16xi32>
    %add3A_176 = arith.addi %get3A_10, %add3A_175 : vector<16xi32>
    %mul3A_177 = arith.constant 4096 : i32
    %mul3A_178 = arith.muli %add3A_172, %mul3A_177 : i32
    %add3A_179 = vector.broadcast %mul3A_178 : i32 to vector<16xi32>
    %add3A_180 = arith.addi %get3A_5, %add3A_179 : vector<16xi32>
    %dma_start3A_181 = arith.constant 0 : i32
    %dma_start3A_182 = arith.constant 0 : i32
    %dma_start3A_183 = tpu.memref_slice %arg4[%dma_start3A_181, %dma_start3A_182] : memref<2048x128xf32, #tpu.memory_space<hbm>> -> memref<2048x128xf32, #tpu.memory_space<hbm>>
    tpu.enqueue_indirect_dma source(%dma_start3A_183 : memref<2048x128xf32, #tpu.memory_space<hbm>>) target(%arg11 : memref<16x128xf32, #tpu.memory_space<vmem>>) offsets(%add3A_176 : vector<16xi32>) semaphore(%arg13 : memref<!tpu.dma_semaphore, #tpu.memory_space<semaphore_mem>>)
    %dma_wait3A_184 = arith.constant 0 : i32
    %dma_wait3A_185 = arith.constant 0 : i32
    %dma_wait3A_186 = tpu.memref_slice %arg4[%dma_wait3A_184, %dma_wait3A_185] : memref<2048x128xf32, #tpu.memory_space<hbm>> -> memref<2048x128xf32, #tpu.memory_space<hbm>>
    tpu.wait_indirect_dma semaphore(%arg13 : memref<!tpu.dma_semaphore, #tpu.memory_space<semaphore_mem>>) src(%dma_wait3A_186 : memref<2048x128xf32, #tpu.memory_space<hbm>>) dst(%arg11 : memref<16x128xf32, #tpu.memory_space<vmem>>)
    %dma_start3A_187 = arith.constant 0 : i32
    %dma_start3A_188 = arith.constant 0 : i32
    %dma_start3A_189 = tpu.memref_slice %arg8[%dma_start3A_187, %dma_start3A_188] : memref<524288x128xf32, #tpu.memory_space<hbm>> -> memref<524288x128xf32, #tpu.memory_space<hbm>>
    tpu.enqueue_indirect_dma source(%arg11 : memref<16x128xf32, #tpu.memory_space<vmem>>) target(%dma_start3A_189 : memref<524288x128xf32, #tpu.memory_space<hbm>>) offsets(%add3A_180 : vector<16xi32>) semaphore(%arg13 : memref<!tpu.dma_semaphore, #tpu.memory_space<semaphore_mem>>)
    %dma_wait3A_190 = arith.constant 0 : i32
    %dma_wait3A_191 = arith.constant 0 : i32
    %dma_wait3A_192 = tpu.memref_slice %arg8[%dma_wait3A_190, %dma_wait3A_191] : memref<524288x128xf32, #tpu.memory_space<hbm>> -> memref<524288x128xf32, #tpu.memory_space<hbm>>
    tpu.wait_indirect_dma semaphore(%arg13 : memref<!tpu.dma_semaphore, #tpu.memory_space<semaphore_mem>>) src(%arg11 : memref<16x128xf32, #tpu.memory_space<vmem>>) dst(%dma_wait3A_192 : memref<524288x128xf32, #tpu.memory_space<hbm>>)
    %dma_start3A_193 = arith.constant 0 : i32
    %dma_start3A_194 = arith.constant 0 : i32
    %dma_start3A_195 = tpu.memref_slice %arg5[%dma_start3A_193, %dma_start3A_194] : memref<2048x128xf32, #tpu.memory_space<hbm>> -> memref<2048x128xf32, #tpu.memory_space<hbm>>
    tpu.enqueue_indirect_dma source(%dma_start3A_195 : memref<2048x128xf32, #tpu.memory_space<hbm>>) target(%arg11 : memref<16x128xf32, #tpu.memory_space<vmem>>) offsets(%add3A_176 : vector<16xi32>) semaphore(%arg13 : memref<!tpu.dma_semaphore, #tpu.memory_space<semaphore_mem>>)
    %dma_wait3A_196 = arith.constant 0 : i32
    %dma_wait3A_197 = arith.constant 0 : i32
    %dma_wait3A_198 = tpu.memref_slice %arg5[%dma_wait3A_196, %dma_wait3A_197] : memref<2048x128xf32, #tpu.memory_space<hbm>> -> memref<2048x128xf32, #tpu.memory_space<hbm>>
    tpu.wait_indirect_dma semaphore(%arg13 : memref<!tpu.dma_semaphore, #tpu.memory_space<semaphore_mem>>) src(%dma_wait3A_198 : memref<2048x128xf32, #tpu.memory_space<hbm>>) dst(%arg11 : memref<16x128xf32, #tpu.memory_space<vmem>>)
    %dma_start3A_199 = arith.constant 0 : i32
    %dma_start3A_200 = arith.constant 0 : i32
    %dma_start3A_201 = tpu.memref_slice %arg9[%dma_start3A_199, %dma_start3A_200] : memref<524288x128xf32, #tpu.memory_space<hbm>> -> memref<524288x128xf32, #tpu.memory_space<hbm>>
    tpu.enqueue_indirect_dma source(%arg11 : memref<16x128xf32, #tpu.memory_space<vmem>>) target(%dma_start3A_201 : memref<524288x128xf32, #tpu.memory_space<hbm>>) offsets(%add3A_180 : vector<16xi32>) semaphore(%arg13 : memref<!tpu.dma_semaphore, #tpu.memory_space<semaphore_mem>>)
    %dma_wait3A_202 = arith.constant 0 : i32
    %dma_wait3A_203 = arith.constant 0 : i32
    %dma_wait3A_204 = tpu.memref_slice %arg9[%dma_wait3A_202, %dma_wait3A_203] : memref<524288x128xf32, #tpu.memory_space<hbm>> -> memref<524288x128xf32, #tpu.memory_space<hbm>>
    tpu.wait_indirect_dma semaphore(%arg13 : memref<!tpu.dma_semaphore, #tpu.memory_space<semaphore_mem>>) src(%arg11 : memref<16x128xf32, #tpu.memory_space<vmem>>) dst(%dma_wait3A_204 : memref<524288x128xf32, #tpu.memory_space<hbm>>)
    %mul3A_205 = arith.constant 4 : i32
    %mul3A_206 = arith.muli %add3A, %mul3A_205 : i32
    %add3A_207 = arith.constant 3 : i32
    %add3A_208 = arith.addi %mul3A_206, %add3A_207 : i32
    %mul3A_209 = arith.constant 16 : i32
    %mul3A_210 = arith.muli %add3A_208, %mul3A_209 : i32
    %add3A_211 = vector.broadcast %mul3A_210 : i32 to vector<16xi32>
    %add3A_212 = arith.addi %get3A_10, %add3A_211 : vector<16xi32>
    %mul3A_213 = arith.constant 4096 : i32
    %mul3A_214 = arith.muli %add3A_208, %mul3A_213 : i32
    %add3A_215 = vector.broadcast %mul3A_214 : i32 to vector<16xi32>
    %add3A_216 = arith.addi %get3A_5, %add3A_215 : vector<16xi32>
    %dma_start3A_217 = arith.constant 0 : i32
    %dma_start3A_218 = arith.constant 0 : i32
    %dma_start3A_219 = tpu.memref_slice %arg4[%dma_start3A_217, %dma_start3A_218] : memref<2048x128xf32, #tpu.memory_space<hbm>> -> memref<2048x128xf32, #tpu.memory_space<hbm>>
    tpu.enqueue_indirect_dma source(%dma_start3A_219 : memref<2048x128xf32, #tpu.memory_space<hbm>>) target(%arg11 : memref<16x128xf32, #tpu.memory_space<vmem>>) offsets(%add3A_212 : vector<16xi32>) semaphore(%arg13 : memref<!tpu.dma_semaphore, #tpu.memory_space<semaphore_mem>>)
    %dma_wait3A_220 = arith.constant 0 : i32
    %dma_wait3A_221 = arith.constant 0 : i32
    %dma_wait3A_222 = tpu.memref_slice %arg4[%dma_wait3A_220, %dma_wait3A_221] : memref<2048x128xf32, #tpu.memory_space<hbm>> -> memref<2048x128xf32, #tpu.memory_space<hbm>>
    tpu.wait_indirect_dma semaphore(%arg13 : memref<!tpu.dma_semaphore, #tpu.memory_space<semaphore_mem>>) src(%dma_wait3A_222 : memref<2048x128xf32, #tpu.memory_space<hbm>>) dst(%arg11 : memref<16x128xf32, #tpu.memory_space<vmem>>)
    %dma_start3A_223 = arith.constant 0 : i32
    %dma_start3A_224 = arith.constant 0 : i32
    %dma_start3A_225 = tpu.memref_slice %arg8[%dma_start3A_223, %dma_start3A_224] : memref<524288x128xf32, #tpu.memory_space<hbm>> -> memref<524288x128xf32, #tpu.memory_space<hbm>>
    tpu.enqueue_indirect_dma source(%arg11 : memref<16x128xf32, #tpu.memory_space<vmem>>) target(%dma_start3A_225 : memref<524288x128xf32, #tpu.memory_space<hbm>>) offsets(%add3A_216 : vector<16xi32>) semaphore(%arg13 : memref<!tpu.dma_semaphore, #tpu.memory_space<semaphore_mem>>)
    %dma_wait3A_226 = arith.constant 0 : i32
    %dma_wait3A_227 = arith.constant 0 : i32
    %dma_wait3A_228 = tpu.memref_slice %arg8[%dma_wait3A_226, %dma_wait3A_227] : memref<524288x128xf32, #tpu.memory_space<hbm>> -> memref<524288x128xf32, #tpu.memory_space<hbm>>
    tpu.wait_indirect_dma semaphore(%arg13 : memref<!tpu.dma_semaphore, #tpu.memory_space<semaphore_mem>>) src(%arg11 : memref<16x128xf32, #tpu.memory_space<vmem>>) dst(%dma_wait3A_228 : memref<524288x128xf32, #tpu.memory_space<hbm>>)
    %dma_start3A_229 = arith.constant 0 : i32
    %dma_start3A_230 = arith.constant 0 : i32
    %dma_start3A_231 = tpu.memref_slice %arg5[%dma_start3A_229, %dma_start3A_230] : memref<2048x128xf32, #tpu.memory_space<hbm>> -> memref<2048x128xf32, #tpu.memory_space<hbm>>
    tpu.enqueue_indirect_dma source(%dma_start3A_231 : memref<2048x128xf32, #tpu.memory_space<hbm>>) target(%arg11 : memref<16x128xf32, #tpu.memory_space<vmem>>) offsets(%add3A_212 : vector<16xi32>) semaphore(%arg13 : memref<!tpu.dma_semaphore, #tpu.memory_space<semaphore_mem>>)
    %dma_wait3A_232 = arith.constant 0 : i32
    %dma_wait3A_233 = arith.constant 0 : i32
    %dma_wait3A_234 = tpu.memref_slice %arg5[%dma_wait3A_232, %dma_wait3A_233] : memref<2048x128xf32, #tpu.memory_space<hbm>> -> memref<2048x128xf32, #tpu.memory_space<hbm>>
    tpu.wait_indirect_dma semaphore(%arg13 : memref<!tpu.dma_semaphore, #tpu.memory_space<semaphore_mem>>) src(%dma_wait3A_234 : memref<2048x128xf32, #tpu.memory_space<hbm>>) dst(%arg11 : memref<16x128xf32, #tpu.memory_space<vmem>>)
    %dma_start3A_235 = arith.constant 0 : i32
    %dma_start3A_236 = arith.constant 0 : i32
    %dma_start3A_237 = tpu.memref_slice %arg9[%dma_start3A_235, %dma_start3A_236] : memref<524288x128xf32, #tpu.memory_space<hbm>> -> memref<524288x128xf32, #tpu.memory_space<hbm>>
    tpu.enqueue_indirect_dma source(%arg11 : memref<16x128xf32, #tpu.memory_space<vmem>>) target(%dma_start3A_237 : memref<524288x128xf32, #tpu.memory_space<hbm>>) offsets(%add3A_216 : vector<16xi32>) semaphore(%arg13 : memref<!tpu.dma_semaphore, #tpu.memory_space<semaphore_mem>>)
    %dma_wait3A_238 = arith.constant 0 : i32
    %dma_wait3A_239 = arith.constant 0 : i32
    %dma_wait3A_240 = tpu.memref_slice %arg9[%dma_wait3A_238, %dma_wait3A_239] : memref<524288x128xf32, #tpu.memory_space<hbm>> -> memref<524288x128xf32, #tpu.memory_space<hbm>>
    tpu.wait_indirect_dma semaphore(%arg13 : memref<!tpu.dma_semaphore, #tpu.memory_space<semaphore_mem>>) src(%arg11 : memref<16x128xf32, #tpu.memory_space<vmem>>) dst(%dma_wait3A_240 : memref<524288x128xf32, #tpu.memory_space<hbm>>)
    return
  }
}

</mosaic_0001>

<sc_bundles>
// kernel: kernel.3.cloned.1.call-start
scs
__scs_entry_jumppad:
0x0: {  	(pc) =	sbr.rel $0x88, $3  }
0x1: {  	(tag) =	ssettag $0x0;
	lr =	simm.s32 $0x1  }
0x2: {  	[smem:$0x3F9C] =	sst lr;
	_ =	strace $0xD0000000  }
0x3: {  	_ = 	snop  }
0x4: {  	_ = 	snop  }
0x5: {  	_ = 	snop  }
0x6: {  	_ = 	snop  }
0x7: {  	_ = 	snop  }
__scs_overlays_trampoline_lowered:
0x8: {  	[smem:$0x3FAB] =	sst s0  }
0x9: {  	[smem:$0x3FAC] =	sst s1  }
0xa: {  	[smem:$0x3FAD] =	sst s2  }
0xb: {  	[smem:$0x3FAE] =	sst s3  }
0xc: {  	[smem:$0x3FAF] =	sst s4  }
0xd: {  	[smem:$0x3FB0] =	sst s5  }
0xe: {  	[smem:$0x3FB1] =	sst s6  }
0xf: {  	[smem:$0x3FB2] =	sst s7  }
0x10: {  	[smem:$0x3FB3] =	sst s8  }
0x11: {  	[smem:$0x3FB4] =	sst s9;
	s0 =	simm.s32 @!p0 $0x0  }
0x12: {  	s1 =	sld [smem:$0x3F9A];
	s0 =	simm.s32 @p0 $0x1  }
0x13: {  	[smem:$0x3FB5] =	sst s0;
	s0 =	simm.s32 @!p1 $0x0  }
0x14: {  	s2 =	sld [smem:$0x3F99];
	s0 =	simm.s32 @p1 $0x1  }
0x15: {  	[smem:$0x3FB6] =	sst s0;
	s0 =	simm.s32 @!p2 $0x0  }
0x16: {  	s3 =	sld [smem:$0x3FDB];
	s0 =	simm.s32 @p2 $0x1  }
0x17: {  	s4 =	simm.s32 $0x1BF5;
	[smem:$0x3FB8] =	sst s0  }
0x18: {  	s0 =	sld [smem:$0x3F9B];
	_ =	swait.ge [sflag:s4], $0x0  }
0x19: {  	s7 =	sld [smem:$0x3F9C]  }
0x1a: {  	s8 =	sadd.s32 $0xFFFFE003, lr  }
0x1b: {  	s9 =	sadd.s32 $0xFFFFFEF7, lr;
	s5 =	simm.s32 $0xFFFFFFFF;
	p2 =	slt.u32 s8, $0xFFFFF086  }
0x1c: {  	p1 =	slt.u32 s9, $0xF7A;
	s5 =	simm.s32 @!p2 $0x0  }
0x1d: {  	s5 =	simm.s32 @p1 $0x1;
	p0 =	seq.s32 s7, s2  }
0x1e: {  	s7 =	smul.u32 @!p0 $0xF7A, s2;
	p2 =	seq.s32 @!p0 s5, $0x0  }
0x1f: {  	s9 =	smul.u32 $0xF7A, s1;
	s8 =	simm.s32 @!p0 $0x1BF5;
	p2 =	por !p2, p0  }
0x20: {  	[sflag:s8] =	ssyncset.s32 @!p0 $0xFFFFF086;
	s6 =	sadd.s32 @!p0 s3, s7;
	s7 =	simm.s32 @!p0 $0x108  }
0x21: {  	s3 =	sadd.s32 s3, s9;
	s6 =	sadd.s32 @!p0 $0x88, s6;
	s7 =	simm.s32 @p2 $0x1082  }
0x22: {  	[simem:s7], [sflag:s8] =	dma.local @!p0 [hbm:s6], $0xF7A  }
0x23: {  	s9 =	sor.u32 $0xD0000000, s2;
	s6 =	simm.s32 $0x108;
	_ =	swait.ge @!p0 [sflag:s8], $0x0  }
0x24: {  	s3 =	sadd.s32 $0x88, s3;
	s6 =	simm.s32 @!p1 $0x1082;
	[sflag:s4] =	ssyncset.s32 $0xFFFFF086  }
0x25: {  	[simem:s6], [sflag:s4] =	dma.local [hbm:s3], $0xF7A  }
0x26: {  	[smem:$0x3F9C] =	sst s1;
	(tag) =	ssettag s2;
	_ =	strace s9  }
0x27: {  	s1 =	sld [smem:$0x3FAC]  }
0x28: {  	s2 =	sld [smem:$0x3FAD]  }
0x29: {  	s4 =	sld [smem:$0x3FAF]  }
0x2a: {  	p0 =	seq.s32 s5, $0x0;
	s5 =	sld [smem:$0x3FB0]  }
0x2b: {  	s6 =	sld [smem:$0x3FB1]  }
0x2c: {  	s7 =	sld [smem:$0x3FB2]  }
0x2d: {  	s3 =	simm.s32 $0x108;
	s8 =	sld [smem:$0x3FB3]  }
0x2e: {  	s3 =	simm.s32 @!p0 $0x1082;
	s9 =	sld [smem:$0x3FB4]  }
0x2f: {  	lr =	sadd.s32 s0, s3;
	s0 =	sld [smem:$0x3FAB]  }
0x30: {  	s3 =	sld [smem:$0x3FAE]  }
0x31: {  	[smem:$0x3FB7] =	sst s10  }
0x32: {  	s10 =	sld [smem:$0x3FB5];
	_ =	sdelay $0x3  }
0x33: {  	p0 =	seq.s32 s10, $0x1;
	s10 =	sld [smem:$0x3FB7];
	_ =	sdelay $0x3  }
0x34: {  	[smem:$0x3FB7] =	sst s10  }
0x35: {  	s10 =	sld [smem:$0x3FB6];
	_ =	sdelay $0x3  }
0x36: {  	p1 =	seq.s32 s10, $0x1;
	s10 =	sld [smem:$0x3FB7];
	_ =	sdelay $0x3  }
0x37: {  	[smem:$0x3FB7] =	sst s10  }
0x38: {  	s10 =	sld [smem:$0x3FB8]  }
0x39: {  	_ = 	snop;
	(pc) =	sbr.ind lr, $3  }
0x3a: {  	_ = 	snop  }
0x3b: {  	_ = 	snop  }
0x3c: {  	p2 =	seq.s32 s10, $0x1;
	s10 =	sld [smem:$0x3FB7]  }
0x3d: {  	_ =	shalt  }
0x3e: {  	_ =	shalt  }
0x3f: {  	_ =	shalt  }
0x40: {  	_ =	shalt  }
0x41: {  	_ =	shalt  }
0x42: {  	_ =	shalt  }
0x43: {  	_ =	shalt  }
0x44: {  	_ =	shalt  }
0x45: {  	_ =	shalt  }
0x46: {  	_ =	shalt  }
0x47: {  	_ =	shalt  }
0x48: {  	_ =	shalt  }
0x49: {  	_ =	shalt  }
0x4a: {  	_ =	shalt  }
0x4b: {  	_ =	shalt  }
0x4c: {  	_ =	shalt  }
0x4d: {  	_ =	shalt  }
0x4e: {  	_ =	shalt  }
0x4f: {  	_ =	shalt  }
0x50: {  	_ =	shalt  }
0x51: {  	_ =	shalt  }
0x52: {  	_ =	shalt  }
0x53: {  	_ =	shalt  }
0x54: {  	_ =	shalt  }
0x55: {  	_ =	shalt  }
0x56: {  	_ =	shalt  }
0x57: {  	_ =	shalt  }
0x58: {  	_ =	shalt  }
0x59: {  	_ =	shalt  }
0x5a: {  	_ =	shalt  }
0x5b: {  	_ =	shalt  }
0x5c: {  	_ =	shalt  }
0x5d: {  	_ =	shalt  }
0x5e: {  	_ =	shalt  }
0x5f: {  	_ =	shalt  }
0x60: {  	_ =	shalt  }
0x61: {  	_ =	shalt  }
0x62: {  	_ =	shalt  }
0x63: {  	_ =	shalt  }
0x64: {  	_ =	shalt  }
0x65: {  	_ =	shalt  }
0x66: {  	_ =	shalt  }
0x67: {  	_ =	shalt  }
0x68: {  	_ =	shalt  }
0x69: {  	_ =	shalt  }
0x6a: {  	_ =	shalt  }
0x6b: {  	_ =	shalt  }
0x6c: {  	_ =	shalt  }
0x6d: {  	_ =	shalt  }
0x6e: {  	_ =	shalt  }
0x6f: {  	_ =	shalt  }
0x70: {  	_ =	shalt  }
0x71: {  	_ =	shalt  }
0x72: {  	_ =	shalt  }
0x73: {  	_ =	shalt  }
0x74: {  	_ =	shalt  }
0x75: {  	_ =	shalt  }
0x76: {  	_ =	shalt  }
0x77: {  	_ =	shalt  }
0x78: {  	_ =	shalt  }
0x79: {  	_ =	shalt  }
0x7a: {  	_ =	shalt  }
0x7b: {  	_ =	shalt  }
0x7c: {  	_ =	shalt  }
0x7d: {  	_ =	shalt  }
0x7e: {  	_ =	shalt  }
0x7f: {  	_ =	shalt  }
0x80: {  	_ =	shalt  }
0x81: {  	_ =	shalt  }
0x82: {  	_ =	shalt  }
0x83: {  	_ =	shalt  }
0x84: {  	_ =	shalt  }
0x85: {  	_ =	shalt  }
0x86: {  	_ =	shalt  }
0x87: {  	_ =	shalt  }
.Lfunc_end0:
.L_simem_size_0:
called_computation_lowered:
.L_overlay_start_0:
0x88: {  	s2 =	sld [smem:$0x3FD9]  }
0x89: {  	s3 =	sld [smem:$0x3FFE];
	_ =	sdelay $0x1  }
0x8a: {  	s1 =	srdreg.scid  }
0x8b: {  	s0 =	sand.u32 $0x1, s1  }
0x8c: {  	s14 =	sshll.u32 s0, $0xA;
	s2 =	sadd.s32 s3, s2  }
0x8d: {  	s2 =	sadd.s32 s2, s14  }
0x8e: {  	[smem:$0x3FC3] =	sst s2  }
0x8f: {  	_ = 	snop  }
0x90: {  	s2 =	sld [smem:$0x3FC9]  }
0x91: {  	s15 =	sld [smem:$0x3FC8]  }
0x92: {  	s4 =	sld [smem:$0x3FD0]  }
0x93: {  	s5 =	sld [smem:$0x3FC7]  }
0x94: {  	s6 =	sld [smem:$0x3FC6]  }
0x95: {  	s8 =	simm.s32 $0xA;
	s9 =	simm.s32 $0x10;
	s7 =	sld [smem:$0x3FC5]  }
0x96: {  	[smem:s9], [sflag:s8] =	dma.local [hbm:s4], $0x1  }
0x97: {  	_ =	swait.eq [sflag:s8], $0x1  }
0x98: {  	[sflag:s8] =	ssyncset.done $0x0  }
0x99: {  	s16 =	sld [smem:$0x10];
	[sflag:s8] =	ssyncadd.s32 $0xFFFFFFFF  }
0x9a: {  	s17 =	sld [smem:$0x11];
	(tm) =	ssettm $0x1  }
0x9b: {  	s18 =	sld [smem:$0x3FFB];
	_ =	sdelay $0x3  }
0x9c: {  	_ =	strace s18  }
0x9d: {  	s9 =	sld [smem:$0x3FFC];
	_ =	sdelay $0x3  }
0x9e: {  	_ =	strace s9  }
0x9f: {  	s9 =	sld [smem:$0x3FFD];
	_ =	sdelay $0x3  }
0xa0: {  	_ =	strace s9  }
0xa1: {  	_ =	strace $0x8FFFFFFF  }
0xa2: {  	s19 =	sld [smem:$0x3FDB];
	_ =	sdelay $0x1  }
0xa3: {  	s10 =	simm.s32 $_scs_section_size  }
0xa4: {  	s11 =	simm.s32 $_size__tile_overlayer_lowered;
	s12 =	simm.s32 $_tile_overlayer_lowered  }
0xa5: {  	s22 =	simm.s32 $0x1BFF;
	s21 =	sshll.u32 s12, $0x1;
	s9 =	sadd.s32 s10, s19  }
0xa6: {  	s13 =	simm.s32 $0x0;
	s20 =	sshll.u32 s11, $0x1;
	s11 =	sadd.s32 s21, s9  }
0xa7: {  	[timem:s13], [sflag:s22] =	dma.local [hbm:s11], s20  }
0xa8: {  	_ =	swait.ge [sflag:s22], s20  }
0xa9: {  	s10 =	ssub.s32 $0x0, s20;
	[sflag:s22] =	ssyncset.done $0x0  }
0xaa: {  	[sflag:s22] =	ssyncadd.s32 s10;
	_ =	sdelay $0x1  }
0xab: {  	s23 =	simm.s32 $0x1B8B  }
0xac: {  	_ =	swait.ge [sflag:s23], $0x1  }
0xad: {  	[sflag:s23] =	ssyncset.done $0x0  }
0xae: {  	s25 =	simm.s32 $0x1B8E;
	s24 =	sld [smem:$0x3FFE];
	[sflag:s23] =	ssyncadd.s32 $0xFFFFFFFF  }
0xaf: {  	s26 =	simm.s32 $execute0_lowered;
	[smem:$0x3FD2] =	sst s25  }
0xb0: {  	s11 =	sshll.u32 s26, $0x1;
	_ =	strace $0x80000046;
	[dreg:$0x1] =	wrdreg $0xFFFFFFFF  }
0xb1: {  	s28 =	simm.s32 $_size_execute0_lowered;
	s9 =	sadd.s32 s9, s11;
	[dreg:$0x0] =	wrdreg $0x0  }
0xb2: {  	s11 =	sshll.u32 s28, $0x1;
	[dreg:$0x2] =	wrdreg s9  }
0xb3: {  	[dreg:$0x3] =	wrdreg s11  }
0xb4: {  	[dreg:$0x4] =	wrdreg $0xC0  }
0xb5: {  	_ =	task [dreg:s13], $0x5FFFF  }
0xb6: {  	[dreg:$0x1] =	wrdreg $0xFFFFFFFF  }
0xb7: {  	[dreg:$0x0] =	wrdreg $0x60  }
0xb8: {  	[dreg:$0x2] =	wrdreg s2  }
0xb9: {  	[dreg:$0x3] =	wrdreg s24  }
0xba: {  	[dreg:$0x4] =	wrdreg s15  }
0xbb: {  	[dreg:$0x5] =	wrdreg s5  }
0xbc: {  	[dreg:$0x6] =	wrdreg s6  }
0xbd: {  	[dreg:$0x7] =	wrdreg s7  }
0xbe: {  	[dreg:$0x8] =	wrdreg s16  }
0xbf: {  	[dreg:$0x9] =	wrdreg s17  }
0xc0: {  	[dreg:$0xa] =	wrdreg $0x9  }
0xc1: {  	_ =	task.clear_ibuf [dreg:s13], $0xBFFFF;
	_ =	strace $0x90000046  }
0xc2: {  	s29 =	simm.s32 $0x9;
	_ =	strace $0x80000048  }
0xc3: {  	_ =	swait.ge [sflag:s29], $0x1  }
0xc4: {  	[sflag:s29] =	ssyncadd.s32 $0xFFFFFFFF  }
0xc5: {  	_ =	strace $0x90000048  }
0xc6: {  	_ =	sfence  }
0xc7: {  	s30 =	sld [smem:$0x0];
	_ =	sdelay $0x2  }
0xc8: {  	s31 =	sshll.u32 s1, $0xD;
	s1 =	sshrl.u32 s1, $0x2  }
0xc9: {  	s3 =	sand.u32 $0x4000, s31;
	s1 =	sadd.s32 s1, s30  }
0xca: {  	s0 =	sor.u32 s3, s0;
	s1 =	sshll.u32 s1, $0x11  }
0xcb: {  	s0 =	sor.u32 s1, s0  }
0xcc: {  	s0 =	sadd.s32 $0x8F2B, s0  }
0xcd: {  	[sflag:s0] =	ssyncadd.remote.s32 $0x1  }
0xce: {  	_ =	sfence.sel $0xFFFF  }
0xcf: {  	[dreg:$0x0] =	wrdreg $0xFFFFFFFF;
	(pc) =	sbr.abs _section_cstart, $3  }
0xd0: {  	[dreg:$0x1] =	wrdreg $0xFFFFFFFF  }
0xd1: {  	_ =	task.clear_ibuf [dreg:s13], $0x2FFFF;
	_ =	strace $0x9FFFFFFF  }
0xd2: {  	(tm) =	ssettm $0x7FFFFFFF  }
0xd3: {  	_ =	shalt  }
tec
execute0_lowered:
.L_overlay_start_1:
0x0: {  	(tag) =	ssettag $0x1  }
0x1: {  	s0 =	rddreg [dreg:$0x0]  }
0x2: {  	s25 =	rddreg [dreg:$0x1]  }
0x3: {  	s1 =	rddreg [dreg:$0x2]  }
0x4: {  	s2 =	rddreg [dreg:$0x3]  }
0x5: {  	s21 =	rddreg [dreg:$0x4]  }
0x6: {  	s22 =	rddreg [dreg:$0x5]  }
0x7: {  	s3 =	rddreg [dreg:$0x6]  }
0x8: {  	s5 =	rddreg [dreg:$0x7];
	s4 =	srdreg.scid  }
0x9: {  	s6 =	simm.s32 $0x0;
	s23 =	stileid.u32;
	[dreg:$0x9] =	wrdreg s0  }
0xa: {  	s10 =	simm.s32 $0x3;
	[smem:$0x7FF] =	sst s6;
	s7 =	sand.u32 $0x1, s4  }
0xb: {  	s0 =	sadd.s32 $0xC00, s25;
	_ =	strace $0x80000047;
	[dreg:$0xb] =	wrdreg s7  }
0xc: {  	s26 =	sshll.u32 s23, $0x1;
	s25 =	sshll.u32 s23, $0x6;
	[dreg:$0xa] =	wrdreg s0  }
0xd: {  	s28 =	sor.u32 s7, s26;
	s25 =	sor.u32 $0x1C01, s25;
	s26 =	simm.s32 $0x1  }
0xe: {  	s31 =	sshll.u32 s28, $0x12;
	s16 =	sshll.u32 s28, $0x2;
	s11 =	rddreg [dreg:$0x9]  }
0xf: {  	s7 =	sadd.s32 s21, s31;
	s8 =	sadd.s32 s3, s31;
	s4 =	sor.u32 $0x1, s16  }
0x10: {  	[tilespmem:s6], [sflag:$0x3] =	stream.linear.gather [hbm4b:s11+s6], $0x80, $0x38;
	[tilespmem:$0x900] =	vst v63  }
0x11: {  	s9 =	sadd.s32 s22, s31;
	s11 =	sadd.s32 s5, s31;
	s0 =	sor.u32 $0x2, s16  }
0x12: {  	s16 =	simm.s32 $0x80;
	s31 =	sshllo.u32 s28, $0x2;
	s15 =	sshll.u32 s4, $0x10  }
0x13: {  	_ =	swait.ge [sflag:s10], $0x80;
	s20 =	sshll.u32 s0, $0x10;
	s24 =	sshll.u32 s31, $0x10  }
0x14: {  	s12 =	sadd.s32 s21, s15;
	s13 =	sadd.s32 s3, s15;
	[sflag:s10] =	ssyncset.done $0x0  }
0x15: {  	s14 =	sadd.s32 s22, s15;
	s17 =	rddreg [dreg:$0xa];
	[sflag:s10] =	ssyncadd.s32 $0xFFFFFF80  }
0x16: {  	[tilespmem:s16], [sflag:$0x3] =	stream.linear.gather [hbm4b:s17+s6], $0x80, $0x38;
	[tilespmem:$0x900] =	vst v63  }
0x17: {  	s15 =	sadd.s32 s5, s15;
	s18 =	sadd.s32 s3, s20;
	_ =	swait.ge [sflag:s10], $0x80  }
0x18: {  	s19 =	sadd.s32 s22, s20;
	s22 =	sadd.s32 s22, s24;
	[sflag:s10] =	ssyncset.done $0x0  }
0x19: {  	s23 =	sadd.s32 s3, s24;
	s17 =	sadd.s32 s21, s20;
	[sflag:s10] =	ssyncadd.s32 $0xFFFFFF80  }
0x1a: {  	s20 =	sadd.s32 s5, s20;
	s21 =	sadd.s32 s21, s24;
	s24 =	sadd.s32 s5, s24;
	v7 =	vld [tilespmem:$0x80]  }
0x1b: {  	v8 =	vld [tilespmem:$0x0];
	[hbm:s8], [sflag:s25] =	dma.local [hbm:s7], $0x10000  }
0x1c: {  	[hbm:s11], [sflag:s25] =	dma.local [hbm:s9], $0x10000  }
0x1d: {  	[hbm:s13], [sflag:s25] =	dma.local [hbm:s12], $0x10000  }
0x1e: {  	[hbm:s15], [sflag:s25] =	dma.local [hbm:s14], $0x10000  }
0x1f: {  	[hbm:s18], [sflag:s25] =	dma.local [hbm:s17], $0x10000  }
0x20: {  	[hbm:s20], [sflag:s25] =	dma.local [hbm:s19], $0x10000  }
0x21: {  	[hbm:s23], [sflag:s25] =	dma.local [hbm:s21], $0x10000  }
0x22: {  	[hbm:s24], [sflag:s25] =	dma.local [hbm:s22], $0x10000  }
0x23: {  	_ =	swait.ge [sflag:s26], $0x10000  }
0x24: {  	[sflag:s26] =	ssyncset.done $0x0  }
0x25: {  	[sflag:s26] =	ssyncadd.s32 $0xFFFF0000  }
0x26: {  	_ =	swait.ge [sflag:s26], $0x10000  }
0x27: {  	[sflag:s26] =	ssyncset.done $0x0  }
0x28: {  	[sflag:s26] =	ssyncadd.s32 $0xFFFF0000  }
0x29: {  	_ =	swait.ge [sflag:s26], $0x10000  }
0x2a: {  	[sflag:s26] =	ssyncset.done $0x0  }
0x2b: {  	[sflag:s26] =	ssyncadd.s32 $0xFFFF0000  }
0x2c: {  	_ =	swait.ge [sflag:s26], $0x10000  }
0x2d: {  	[sflag:s26] =	ssyncset.done $0x0  }
0x2e: {  	[sflag:s26] =	ssyncadd.s32 $0xFFFF0000  }
0x2f: {  	_ =	swait.ge [sflag:s26], $0x10000  }
0x30: {  	[sflag:s26] =	ssyncset.done $0x0  }
0x31: {  	[sflag:s26] =	ssyncadd.s32 $0xFFFF0000  }
0x32: {  	_ =	swait.ge [sflag:s26], $0x10000  }
0x33: {  	[sflag:s26] =	ssyncset.done $0x0  }
0x34: {  	s29 =	sshll.u32 s28, $0x6;
	[sflag:s26] =	ssyncadd.s32 $0xFFFF0000  }
0x35: {  	v0 =	vmov s29;
	_ =	swait.ge [sflag:s26], $0x10000  }
0x36: {  	v2 =	vadd.s32 v0, v7;
	[sflag:s26] =	ssyncset.done $0x0  }
0x37: {  	[sflag:s26] =	ssyncadd.s32 $0xFFFF0000  }
0x38: {  	s28 =	sshll.u32 s28, $0xE;
	_ =	swait.ge [sflag:s26], $0x10000  }
0x39: {  	v1 =	vmov s28;
	[sflag:s26] =	ssyncset.done $0x0  }
0x3a: {  	vm0 =	vmmov $0xffff;
	s29 =	simm.s32 $0x2;
	s28 =	simm.s32 $0x100;
	v3 =	vadd.s32 v1, v8;
	[sflag:s26] =	ssyncadd.s32 $0xFFFF0000  }
0x3b: {  	[tilespmem:s28], [sflag:$0x2] =	stream.indirect_vreg.gather [hbm4b:s1+s6], $0x80, v2, vm0, $0xb8;
	[tilespmem:$0x900] =	vst v63  }
0x3c: {  	_ =	swait.ge [sflag:s29], $0x800  }
0x3d: {  	[sflag:s29] =	ssyncset.done $0x0  }
0x3e: {  	[sflag:s29] =	ssyncadd.s32 $0xFFFFF800  }
0x3f: {  	[hbm4b:s3+s6] =	stream.indirect_vreg.scatter [tilespmem:s28], [sflag:$0x2], $0x80, v3, vm0, $0xb8;
	[tilespmem:$0x900] =	vst v63  }
0x40: {  	_ =	swait.ge [sflag:s29], $0x800  }
0x41: {  	[sflag:s29] =	ssyncset.done $0x0  }
0x42: {  	[sflag:s29] =	ssyncadd.s32 $0xFFFFF800  }
0x43: {  	[tilespmem:s28], [sflag:$0x2] =	stream.indirect_vreg.gather [hbm4b:s2+s6], $0x80, v2, vm0, $0xb8;
	[tilespmem:$0x900] =	vst v63  }
0x44: {  	s30 =	sshll.u32 s4, $0x4;
	_ =	swait.ge [sflag:s29], $0x800  }
0x45: {  	v2 =	vmov s30;
	[sflag:s29] =	ssyncset.done $0x0  }
0x46: {  	v4 =	vadd.s32 v2, v7;
	[sflag:s29] =	ssyncadd.s32 $0xFFFFF800  }
0x47: {  	[hbm4b:s5+s6] =	stream.indirect_vreg.scatter [tilespmem:s28], [sflag:$0x2], $0x80, v3, vm0, $0xb8;
	[tilespmem:$0x900] =	vst v63  }
0x48: {  	s4 =	sshll.u32 s4, $0xC;
	_ =	swait.ge [sflag:s29], $0x800  }
0x49: {  	v3 =	vmov s4;
	[sflag:s29] =	ssyncset.done $0x0  }
0x4a: {  	v5 =	vadd.s32 v3, v8;
	[sflag:s29] =	ssyncadd.s32 $0xFFFFF800  }
0x4b: {  	[tilespmem:s28], [sflag:$0x2] =	stream.indirect_vreg.gather [hbm4b:s1+s6], $0x80, v4, vm0, $0xb8;
	[tilespmem:$0x900] =	vst v63  }
0x4c: {  	_ =	swait.ge [sflag:s29], $0x800  }
0x4d: {  	[sflag:s29] =	ssyncset.done $0x0  }
0x4e: {  	[sflag:s29] =	ssyncadd.s32 $0xFFFFF800  }
0x4f: {  	[hbm4b:s3+s6] =	stream.indirect_vreg.scatter [tilespmem:s28], [sflag:$0x2], $0x80, v5, vm0, $0xb8;
	[tilespmem:$0x900] =	vst v63  }
0x50: {  	_ =	swait.ge [sflag:s29], $0x800  }
0x51: {  	[sflag:s29] =	ssyncset.done $0x0  }
0x52: {  	[sflag:s29] =	ssyncadd.s32 $0xFFFFF800  }
0x53: {  	[tilespmem:s28], [sflag:$0x2] =	stream.indirect_vreg.gather [hbm4b:s2+s6], $0x80, v4, vm0, $0xb8;
	[tilespmem:$0x900] =	vst v63  }
0x54: {  	s4 =	sshll.u32 s0, $0x4;
	_ =	swait.ge [sflag:s29], $0x800  }
0x55: {  	v4 =	vmov s4;
	[sflag:s29] =	ssyncset.done $0x0  }
0x56: {  	v6 =	vadd.s32 v4, v7;
	[sflag:s29] =	ssyncadd.s32 $0xFFFFF800  }
0x57: {  	[hbm4b:s5+s6] =	stream.indirect_vreg.scatter [tilespmem:s28], [sflag:$0x2], $0x80, v5, vm0, $0xb8;
	[tilespmem:$0x900] =	vst v63  }
0x58: {  	s0 =	sshll.u32 s0, $0xC;
	_ =	swait.ge [sflag:s29], $0x800  }
0x59: {  	v5 =	vmov s0;
	[sflag:s29] =	ssyncset.done $0x0  }
0x5a: {  	v9 =	vadd.s32 v5, v8;
	[sflag:s29] =	ssyncadd.s32 $0xFFFFF800  }
0x5b: {  	[tilespmem:s28], [sflag:$0x2] =	stream.indirect_vreg.gather [hbm4b:s1+s6], $0x80, v6, vm0, $0xb8;
	[tilespmem:$0x900] =	vst v63  }
0x5c: {  	_ =	swait.ge [sflag:s29], $0x800  }
0x5d: {  	[sflag:s29] =	ssyncset.done $0x0  }
0x5e: {  	[sflag:s29] =	ssyncadd.s32 $0xFFFFF800  }
0x5f: {  	[hbm4b:s3+s6] =	stream.indirect_vreg.scatter [tilespmem:s28], [sflag:$0x2], $0x80, v9, vm0, $0xb8;
	[tilespmem:$0x900] =	vst v63  }
0x60: {  	_ =	swait.ge [sflag:s29], $0x800  }
0x61: {  	[sflag:s29] =	ssyncset.done $0x0  }
0x62: {  	[sflag:s29] =	ssyncadd.s32 $0xFFFFF800  }
0x63: {  	[tilespmem:s28], [sflag:$0x2] =	stream.indirect_vreg.gather [hbm4b:s2+s6], $0x80, v6, vm0, $0xb8;
	[tilespmem:$0x900] =	vst v63  }
0x64: {  	s4 =	sshll.u32 s31, $0x4;
	_ =	swait.ge [sflag:s29], $0x800  }
0x65: {  	v6 =	vmov s4;
	[sflag:s29] =	ssyncset.done $0x0  }
0x66: {  	v10 =	vadd.s32 v6, v7;
	[sflag:s29] =	ssyncadd.s32 $0xFFFFF800  }
0x67: {  	[hbm4b:s5+s6] =	stream.indirect_vreg.scatter [tilespmem:s28], [sflag:$0x2], $0x80, v9, vm0, $0xb8;
	[tilespmem:$0x900] =	vst v63  }
0x68: {  	s31 =	sshll.u32 s31, $0xC;
	_ =	swait.ge [sflag:s29], $0x800  }
0x69: {  	v7 =	vmov s31;
	[sflag:s29] =	ssyncset.done $0x0  }
0x6a: {  	v8 =	vadd.s32 v7, v8;
	[sflag:s29] =	ssyncadd.s32 $0xFFFFF800  }
0x6b: {  	[tilespmem:s28], [sflag:$0x2] =	stream.indirect_vreg.gather [hbm4b:s1+s6], $0x80, v10, vm0, $0xb8;
	[tilespmem:$0x900] =	vst v63  }
0x6c: {  	_ =	swait.ge [sflag:s29], $0x800  }
0x6d: {  	[sflag:s29] =	ssyncset.done $0x0  }
0x6e: {  	[sflag:s29] =	ssyncadd.s32 $0xFFFFF800  }
0x6f: {  	[hbm4b:s3+s6] =	stream.indirect_vreg.scatter [tilespmem:s28], [sflag:$0x2], $0x80, v8, vm0, $0xb8;
	[tilespmem:$0x900] =	vst v63  }
0x70: {  	_ =	swait.ge [sflag:s29], $0x800  }
0x71: {  	[sflag:s29] =	ssyncset.done $0x0;
	s4 =	rddreg [dreg:$0xb]  }
0x72: {  	s0 =	ssub.s32 $0x2, s4;
	[sflag:s29] =	ssyncadd.s32 $0xFFFFF800  }
0x73: {  	[tilespmem:s28], [sflag:$0x2] =	stream.indirect_vreg.gather [hbm4b:s2+s6], $0x80, v10, vm0, $0xb8;
	[tilespmem:$0x900] =	vst v63  }
0x74: {  	s31 =	sshrl.u32 s0, $0x1  }
0x75: {  	s0 =	ssub.s32 s0, s31  }
0x76: {  	s0 =	smax.u32 s0, $0x1  }
0x77: {  	p0 =	sne.s32 s0, $0x1  }
.Ltmp0:
0x78: {  	_ =	swait.ge [sflag:s29], $0x800;
	(pc) =	sbr.rel @!p0 .LBB2_2-.Ltmp0, $4  }
0x79: {  	[sflag:s29] =	ssyncset.done $0x0  }
0x7a: {  	[sflag:s29] =	ssyncadd.s32 $0xFFFFF800  }
0x7b: {  	[hbm4b:s5+s6] =	stream.indirect_vreg.scatter [tilespmem:s28], [sflag:$0x2], $0x80, v8, vm0, $0xb8;
	[tilespmem:$0x900] =	vst v63  }
0x7c: {  	s30 =	sadd.s32 $0xFFFFFFFF, s0;
	_ =	swait.ge [sflag:s29], $0x800  }
.LBB2_1:
0x7d: {  	[sflag:s29] =	ssyncset.done $0x0  }
0x7e: {  	s0 =	rddreg [dreg:$0x9];
	[sflag:s29] =	ssyncadd.s32 $0xFFFFF800  }
0x7f: {  	[tilespmem:s6], [sflag:$0x3] =	stream.linear.gather [hbm4b:s0+s6], $0x80, $0x38;
	[tilespmem:$0x900] =	vst v63  }
0x80: {  	_ =	swait.ge [sflag:s10], $0x80  }
0x81: {  	[sflag:s10] =	ssyncset.done $0x0  }
0x82: {  	s31 =	rddreg [dreg:$0xa];
	[sflag:s10] =	ssyncadd.s32 $0xFFFFFF80  }
0x83: {  	[tilespmem:s16], [sflag:$0x3] =	stream.linear.gather [hbm4b:s31+s6], $0x80, $0x38;
	[tilespmem:$0x900] =	vst v63  }
0x84: {  	_ =	swait.ge [sflag:s10], $0x80  }
0x85: {  	[sflag:s10] =	ssyncset.done $0x0  }
0x86: {  	[sflag:s10] =	ssyncadd.s32 $0xFFFFFF80  }
0x87: {  	v9 =	vld [tilespmem:$0x80]  }
0x88: {  	v8 =	vld [tilespmem:$0x0];
	[hbm:s8], [sflag:s25] =	dma.local [hbm:s7], $0x10000  }
0x89: {  	[hbm:s11], [sflag:s25] =	dma.local [hbm:s9], $0x10000  }
0x8a: {  	[hbm:s13], [sflag:s25] =	dma.local [hbm:s12], $0x10000  }
0x8b: {  	[hbm:s15], [sflag:s25] =	dma.local [hbm:s14], $0x10000  }
0x8c: {  	[hbm:s18], [sflag:s25] =	dma.local [hbm:s17], $0x10000  }
0x8d: {  	[hbm:s20], [sflag:s25] =	dma.local [hbm:s19], $0x10000  }
0x8e: {  	[hbm:s23], [sflag:s25] =	dma.local [hbm:s21], $0x10000  }
0x8f: {  	[hbm:s24], [sflag:s25] =	dma.local [hbm:s22], $0x10000  }
0x90: {  	_ =	swait.ge [sflag:s26], $0x10000  }
0x91: {  	[sflag:s26] =	ssyncset.done $0x0  }
0x92: {  	[sflag:s26] =	ssyncadd.s32 $0xFFFF0000  }
0x93: {  	_ =	swait.ge [sflag:s26], $0x10000  }
0x94: {  	[sflag:s26] =	ssyncset.done $0x0  }
0x95: {  	[sflag:s26] =	ssyncadd.s32 $0xFFFF0000  }
0x96: {  	_ =	swait.ge [sflag:s26], $0x10000  }
0x97: {  	[sflag:s26] =	ssyncset.done $0x0  }
0x98: {  	[sflag:s26] =	ssyncadd.s32 $0xFFFF0000  }
0x99: {  	_ =	swait.ge [sflag:s26], $0x10000  }
0x9a: {  	[sflag:s26] =	ssyncset.done $0x0  }
0x9b: {  	[sflag:s26] =	ssyncadd.s32 $0xFFFF0000  }
0x9c: {  	_ =	swait.ge [sflag:s26], $0x10000  }
0x9d: {  	[sflag:s26] =	ssyncset.done $0x0  }
0x9e: {  	[sflag:s26] =	ssyncadd.s32 $0xFFFF0000  }
0x9f: {  	_ =	swait.ge [sflag:s26], $0x10000  }
0xa0: {  	[sflag:s26] =	ssyncset.done $0x0  }
0xa1: {  	[sflag:s26] =	ssyncadd.s32 $0xFFFF0000  }
0xa2: {  	_ =	swait.ge [sflag:s26], $0x10000  }
0xa3: {  	v10 =	vadd.s32 v0, v9;
	[sflag:s26] =	ssyncset.done $0x0  }
0xa4: {  	[sflag:s26] =	ssyncadd.s32 $0xFFFF0000  }
0xa5: {  	_ =	swait.ge [sflag:s26], $0x10000  }
0xa6: {  	[sflag:s26] =	ssyncset.done $0x0  }
0xa7: {  	v11 =	vadd.s32 v1, v8;
	[sflag:s26] =	ssyncadd.s32 $0xFFFF0000  }
0xa8: {  	[tilespmem:s28], [sflag:$0x2] =	stream.indirect_vreg.gather [hbm4b:s1+s6], $0x80, v10, vm0, $0xb8;
	[tilespmem:$0x900] =	vst v63  }
0xa9: {  	_ =	swait.ge [sflag:s29], $0x800  }
0xaa: {  	[sflag:s29] =	ssyncset.done $0x0  }
0xab: {  	[sflag:s29] =	ssyncadd.s32 $0xFFFFF800  }
0xac: {  	[hbm4b:s3+s6] =	stream.indirect_vreg.scatter [tilespmem:s28], [sflag:$0x2], $0x80, v11, vm0, $0xb8;
	[tilespmem:$0x900] =	vst v63  }
0xad: {  	_ =	swait.ge [sflag:s29], $0x800  }
0xae: {  	[sflag:s29] =	ssyncset.done $0x0  }
0xaf: {  	[sflag:s29] =	ssyncadd.s32 $0xFFFFF800  }
0xb0: {  	[tilespmem:s28], [sflag:$0x2] =	stream.indirect_vreg.gather [hbm4b:s2+s6], $0x80, v10, vm0, $0xb8;
	[tilespmem:$0x900] =	vst v63  }
0xb1: {  	_ =	swait.ge [sflag:s29], $0x800  }
0xb2: {  	[sflag:s29] =	ssyncset.done $0x0  }
0xb3: {  	v60 =	vadd.s32 v2, v9;
	[sflag:s29] =	ssyncadd.s32 $0xFFFFF800  }
0xb4: {  	[hbm4b:s5+s6] =	stream.indirect_vreg.scatter [tilespmem:s28], [sflag:$0x2], $0x80, v11, vm0, $0xb8;
	[tilespmem:$0x900] =	vst v63  }
0xb5: {  	_ =	swait.ge [sflag:s29], $0x800  }
0xb6: {  	[sflag:s29] =	ssyncset.done $0x0  }
0xb7: {  	v61 =	vadd.s32 v3, v8;
	[sflag:s29] =	ssyncadd.s32 $0xFFFFF800  }
0xb8: {  	[tilespmem:s28], [sflag:$0x2] =	stream.indirect_vreg.gather [hbm4b:s1+s6], $0x80, v60, vm0, $0xb8;
	[tilespmem:$0x900] =	vst v63  }
0xb9: {  	_ =	swait.ge [sflag:s29], $0x800  }
0xba: {  	[sflag:s29] =	ssyncset.done $0x0  }
0xbb: {  	[sflag:s29] =	ssyncadd.s32 $0xFFFFF800  }
0xbc: {  	[hbm4b:s3+s6] =	stream.indirect_vreg.scatter [tilespmem:s28], [sflag:$0x2], $0x80, v61, vm0, $0xb8;
	[tilespmem:$0x900] =	vst v63  }
0xbd: {  	_ =	swait.ge [sflag:s29], $0x800  }
0xbe: {  	[sflag:s29] =	ssyncset.done $0x0  }
0xbf: {  	[sflag:s29] =	ssyncadd.s32 $0xFFFFF800  }
0xc0: {  	[tilespmem:s28], [sflag:$0x2] =	stream.indirect_vreg.gather [hbm4b:s2+s6], $0x80, v60, vm0, $0xb8;
	[tilespmem:$0x900] =	vst v63  }
0xc1: {  	_ =	swait.ge [sflag:s29], $0x800  }
0xc2: {  	[sflag:s29] =	ssyncset.done $0x0  }
0xc3: {  	v62 =	vadd.s32 v4, v9;
	[sflag:s29] =	ssyncadd.s32 $0xFFFFF800  }
0xc4: {  	[hbm4b:s5+s6] =	stream.indirect_vreg.scatter [tilespmem:s28], [sflag:$0x2], $0x80, v61, vm0, $0xb8;
	[tilespmem:$0x900] =	vst v63  }
0xc5: {  	_ =	swait.ge [sflag:s29], $0x800  }
0xc6: {  	[sflag:s29] =	ssyncset.done $0x0  }
0xc7: {  	v63 =	vadd.s32 v5, v8;
	[sflag:s29] =	ssyncadd.s32 $0xFFFFF800  }
0xc8: {  	[tilespmem:s28], [sflag:$0x2] =	stream.indirect_vreg.gather [hbm4b:s1+s6], $0x80, v62, vm0, $0xb8;
	[tilespmem:$0x900] =	vst v63  }
0xc9: {  	_ =	swait.ge [sflag:s29], $0x800  }
0xca: {  	[sflag:s29] =	ssyncset.done $0x0  }
0xcb: {  	[sflag:s29] =	ssyncadd.s32 $0xFFFFF800  }
0xcc: {  	[hbm4b:s3+s6] =	stream.indirect_vreg.scatter [tilespmem:s28], [sflag:$0x2], $0x80, v63, vm0, $0xb8;
	[tilespmem:$0x900] =	vst v63  }
0xcd: {  	_ =	swait.ge [sflag:s29], $0x800  }
0xce: {  	[sflag:s29] =	ssyncset.done $0x0  }
0xcf: {  	[sflag:s29] =	ssyncadd.s32 $0xFFFFF800  }
0xd0: {  	[tilespmem:s28], [sflag:$0x2] =	stream.indirect_vreg.gather [hbm4b:s2+s6], $0x80, v62, vm0, $0xb8;
	[tilespmem:$0x900] =	vst v63  }
0xd1: {  	_ =	swait.ge [sflag:s29], $0x800  }
0xd2: {  	[sflag:s29] =	ssyncset.done $0x0  }
0xd3: {  	v9 =	vadd.s32 v6, v9;
	[sflag:s29] =	ssyncadd.s32 $0xFFFFF800  }
0xd4: {  	[hbm4b:s5+s6] =	stream.indirect_vreg.scatter [tilespmem:s28], [sflag:$0x2], $0x80, v63, vm0, $0xb8;
	[tilespmem:$0x900] =	vst v63  }
0xd5: {  	_ =	swait.ge [sflag:s29], $0x800  }
0xd6: {  	[sflag:s29] =	ssyncset.done $0x0  }
0xd7: {  	v8 =	vadd.s32 v7, v8;
	[sflag:s29] =	ssyncadd.s32 $0xFFFFF800  }
0xd8: {  	[tilespmem:s28], [sflag:$0x2] =	stream.indirect_vreg.gather [hbm4b:s1+s6], $0x80, v9, vm0, $0xb8;
	[tilespmem:$0x900] =	vst v63  }
0xd9: {  	_ =	swait.ge [sflag:s29], $0x800  }
0xda: {  	[sflag:s29] =	ssyncset.done $0x0  }
0xdb: {  	[sflag:s29] =	ssyncadd.s32 $0xFFFFF800  }
0xdc: {  	[hbm4b:s3+s6] =	stream.indirect_vreg.scatter [tilespmem:s28], [sflag:$0x2], $0x80, v8, vm0, $0xb8;
	[tilespmem:$0x900] =	vst v63  }
0xdd: {  	_ =	swait.ge [sflag:s29], $0x800  }
0xde: {  	[sflag:s29] =	ssyncset.done $0x0  }
0xdf: {  	p0 =	sne.s32 s30, $0x1;
	[sflag:s29] =	ssyncadd.s32 $0xFFFFF800  }
0xe0: {  	[tilespmem:s28], [sflag:$0x2] =	stream.indirect_vreg.gather [hbm4b:s2+s6], $0x80, v9, vm0, $0xb8;
	[tilespmem:$0x900] =	vst v63  }
.Ltmp1:
0xe1: {  	_ =	swait.ge [sflag:s29], $0x800;
	(pc) =	sbr.rel @p0 .LBB2_1-.Ltmp1, $4  }
0xe2: {  	[sflag:s29] =	ssyncset.done $0x0  }
0xe3: {  	[sflag:s29] =	ssyncadd.s32 $0xFFFFF800  }
0xe4: {  	[hbm4b:s5+s6] =	stream.indirect_vreg.scatter [tilespmem:s28], [sflag:$0x2], $0x80, v8, vm0, $0xb8;
	[tilespmem:$0x900] =	vst v63  }
0xe5: {  	s30 =	sadd.s32 $0xFFFFFFFF, s30;
	_ =	swait.ge [sflag:s29], $0x800  }
.LBB2_2:
0xe6: {  	[sflag:s29] =	ssyncset.done $0x0  }
0xe7: {  	[sflag:s29] =	ssyncadd.s32 $0xFFFFF800  }
0xe8: {  	_ =	sfence.sel $0x180000  }
0xe9: {  	[bflag:$0x0] =	sbarrier.arrive $0xFFFF  }
0xea: {  	_ =	strace $0x90000047  }
0xeb: {  	s0 =	stileid.u32;
	[bflag:$0x2] =	sbarrier.arrive $0xFFFF  }
0xec: {  	p0 =	sne.s32 s0, $0x0;
	s0 =	rddreg [dreg:$0x8]  }
0xed: {  	s0 =	sadd.s32 @!p0 $0x100000, s0  }
0xee: {  	[sflag:s0] =	ssyncadd.tile.s32 @!p0 $0x1;
	_ =	shalt  }
.Lfunc_end2:
_tile_overlayer_lowered:
.L_overlay_start_2:
0xef: {  	(tag) =	ssettag $0x2  }
0xf0: {  	s0 =	rddreg [dreg:$0x0];
	s2 =	stileid.u32  }
0xf1: {  	s1 =	rddreg [dreg:$0x1];
	p0 =	sne.s32 s2, $0x0  }
0xf2: {  	s3 =	rddreg [dreg:$0x2];
	[bflag:$0x3] =	sbarrier.arrive $0xFFFF;
	s2 =	simm.s32 @!p0 $0x1C03  }
0xf3: {  	[timem:s3], [sflag:s2] =	dma.local @!p0 [hbm:s0], s1  }
0xf4: {  	s0 =	simm.s32 @!p0 $0x3  }
0xf5: {  	_ =	swait.ge @!p0 [sflag:s0], s1  }
0xf6: {  	s1 =	ssub.s32 @!p0 $0x0, s1;
	[sflag:s0] =	ssyncset.done @!p0 $0x0  }
0xf7: {  	[sflag:s0] =	ssyncadd.s32 @!p0 s1  }
0xf8: {  	[bflag:$0x3] =	sbarrier.arrive $0xFFFF  }
0xf9: {  	_ =	shalt  }

</sc_bundles>
